<compile_context>
chip_gen: v7x
topology: tpu7x:2x2x1
jax: 0.10.2.dev20260603
libtpu: 0.0.44.dev20260713+nightly
codegen_flags: <defaults>
</compile_context>

<pallas_src>
import functools

import jax
import jax.numpy as jnp
from jax import lax
from jax.experimental import pallas as pl
from jax.experimental.pallas import tpu as pltpu
from jax.experimental.pallas import tpu_sc as plsc

_B = 4096
_D = 10000
_NC = 2
_NS = 16
_NW = _NC * _NS
_BPW = _B // _NW
_K = 8
_NG = _BPW // _K
_CB = 1664
_NJ = 6
_CT = _NJ * _CB
_TAIL = _D - _CT
_UNITS = _NG * _NJ
_NBUF = 4
_NMBUF = 5
_L = 16
_NEG_INF_I32 = -8388608


def _sc_body(pos_hbm, mask_hbm, heat_hbm, tail_hbm, out_hbm,
             pos_v, mbufs, fbufs, sem_m, sem_g, sem_o):
    wid = lax.axis_index("s") * _NC + lax.axis_index("c")
    base = wid * _BPW

    pltpu.sync_copy(pos_hbm.at[pl.ds(base, _BPW)], pos_v)
    pltpu.sync_copy(tail_hbm.at[pl.ds(base, _BPW)],
                    out_hbm.at[pl.ds(base, _BPW), pl.ds(_CT, _TAIL)])

    def unit_geom(u):
        g = lax.bitwise_and(u, _NG - 1)
        j = lax.shift_right_logical(u, 4)
        return g, j

    def mask_copy(u):
        g, j = unit_geom(u)
        bm = lax.rem(u, _NMBUF)
        return pltpu.make_async_copy(
            mask_hbm.at[pl.ds(base + g * _K, _K), pl.ds(j * _CB, _CB)],
            mbufs.at[bm], sem_m.at[bm])

    def gather_copy(u):
        g, j = unit_geom(u)
        bf = lax.bitwise_and(u, _NBUF - 1)
        return pltpu.make_async_copy(
            heat_hbm.at[pos_v.at[pl.ds(g * _K, _K)], pl.ds(j * _CB, _CB)],
            fbufs.at[bf], sem_g.at[bf])

    def out_copy(u):
        g, j = unit_geom(u)
        bf = lax.bitwise_and(u, _NBUF - 1)
        return pltpu.make_async_copy(
            fbufs.at[bf],
            out_hbm.at[pl.ds(base + g * _K, _K), pl.ds(j * _CB, _CB)],
            sem_o.at[bf])

    def convert(bm, bf):
        for r in range(_K):
            @plsc.parallel_loop(0, _CB, step=_L, unroll=4)
            def _(i):
                m = mbufs[bm, r, pl.ds(i, _L)]
                fbufs[bf, r, pl.ds(i, _L)] = lax.bitcast_convert_type(
                    m * _NEG_INF_I32, jnp.float32)

    def pipe_iter(u, carry):
        @pl.when(u < _UNITS)
        def _():
            mask_copy(u).start()

        @pl.when((u >= 3) & (u < _UNITS + 3))
        def _():
            v = u - 3
            g, j = unit_geom(v)
            bf = lax.bitwise_and(v, _NBUF - 1)
            @pl.when(v >= _NBUF)
            def _():
                out_copy(v - _NBUF).wait()
            mask_copy(v).wait()
            convert(lax.rem(v, _NMBUF), bf)
            pltpu.async_copy(
                heat_hbm.at[pos_v.at[pl.ds(g * _K, _K)], pl.ds(j * _CB, _CB)],
                fbufs.at[bf], sem_g.at[bf], add=True)

        @pl.when(u >= 5)
        def _():
            w = u - 5
            gather_copy(w).wait()
            out_copy(w).start()
        return carry

    lax.fori_loop(0, _UNITS + 5, pipe_iter, 0)

    for t in range(_NBUF):
        out_copy(_UNITS - _NBUF + t).wait()


@jax.jit
def kernel(position, visited_mask, heatmap):
    mesh = plsc.VectorSubcoreMesh(core_axis_name="c", subcore_axis_name="s")
    tail = jnp.where(visited_mask[:, _CT:] == 1, -jnp.inf,
                     jnp.take(heatmap[:, _CT:], position, axis=0))
    run = functools.partial(
        pl.kernel,
        out_type=jax.ShapeDtypeStruct((_B, _D), jnp.float32),
        mesh=mesh,
        scratch_types=[
            pltpu.VMEM((_BPW,), jnp.int32),
            pltpu.VMEM((_NMBUF, _K, _CB), jnp.int32),
            pltpu.VMEM((_NBUF, _K, _CB), jnp.float32),
            pltpu.SemaphoreType.DMA((_NMBUF,)),
            pltpu.SemaphoreType.DMA((_NBUF,)),
            pltpu.SemaphoreType.DMA((_NBUF,)),
        ],
        compiler_params=pltpu.CompilerParams(
            disable_bounds_checks=True, disable_semaphore_checks=True),
    )(_sc_body)
    return run(position, visited_mask, heatmap, tail)

# --- scband reference (transcript-rebuilt; emitter-appended) ---
"""Pipeline reference for scband-heatmap-actor-83992380441158 (READ-ONLY COPY).

The authoritative reference and input builder live on the scoring server;
editing this copy changes nothing except your own understanding.
"""

import jax, jax.numpy as jnp
import numpy as np

PROBLEM_SIZE = 10000
BATCH = 4096
SCALE = 1.0


def setup_inputs(seed: int = 0) -> dict:
    key = jax.random.key(seed)
    k1, k2 = jax.random.split(key)
    position = jax.random.randint(k1, (BATCH,), 0, PROBLEM_SIZE, dtype=jnp.int32)
    visited_mask = jax.random.randint(k2, (BATCH, PROBLEM_SIZE), 0, 2, dtype=jnp.int32)
    # learned parameter: heatmap initialized to constant `scale` (as in flax setup)
    heatmap = jnp.full((PROBLEM_SIZE, PROBLEM_SIZE), SCALE, dtype=jnp.float32)
    return {"position": position, "visited_mask": visited_mask, "heatmap": heatmap}


def reference(position, visited_mask, heatmap):
    # row-gather from the heatmap table (embedding lookup)
    logits = jnp.take(heatmap, position, axis=0)  # [B, problem_size]
    # mask already-visited nodes with -inf
    logits = jnp.where(visited_mask == 1, -jnp.inf, logits)
    return logits

if __name__ == "__main__":
    import jax
    _d = setup_inputs()
    print(jax.jit(kernel)(*tuple(_d.values())))

</pallas_src>

<mosaic_0001>
#map = affine_map<(d0, d1) -> (0)>
#map1 = affine_map<(d0, d1) -> (0, 0)>
module attributes {stable_mosaic.version = 14 : i64} {
  func.func @_sc_body(%arg0: i32, %arg1: i32, %arg2: memref<4096xi32, #tpu.memory_space<hbm>>, %arg3: memref<4096x10000xi32, #tpu.memory_space<hbm>>, %arg4: memref<10000x10000xf32, #tpu.memory_space<hbm>>, %arg5: memref<4096x16xf32, #tpu.memory_space<hbm>>, %arg6: memref<4096x10000xf32, #tpu.memory_space<hbm>>, %arg7: memref<128xi32, #tpu.memory_space<vmem>>, %arg8: memref<5x8x1664xi32, #tpu.memory_space<vmem>>, %arg9: memref<4x8x1664xf32, #tpu.memory_space<vmem>>, %arg10: memref<5x!tpu.dma_semaphore, #tpu.memory_space<semaphore_mem>>, %arg11: memref<4x!tpu.dma_semaphore, #tpu.memory_space<semaphore_mem>>, %arg12: memref<4x!tpu.dma_semaphore, #tpu.memory_space<semaphore_mem>>) attributes {dimension_semantics = [#tpu.dimension_semantics<core_parallel>, #tpu.dimension_semantics<subcore_parallel>], iteration_bounds = array<i64: 2, 16>, scalar_prefetch = 0 : i64, scratch_operands = 6 : i64, tpu.core_type = #tpu.core_type<sc_vector_subcore>, window_params = [{transform_indices = #map}, {transform_indices = #map1}, {transform_indices = #map1}, {transform_indices = #map1}, {transform_indices = #map1}]} {
    %mul3A = arith.constant 2 : i32
    %mul3A_0 = arith.muli %arg1, %mul3A : i32
    %add3A = arith.addi %mul3A_0, %arg0 : i32
    %mul3A_1 = arith.constant 128 : i32
    %mul3A_2 = arith.muli %add3A, %mul3A_1 : i32
    "tpu.region"() ({
      %run_scoped3A = tpu.sem_alloc : memref<!tpu.dma_semaphore, #tpu.memory_space<semaphore_mem>>
      %dma_start3A = tpu.memref_slice %arg2[%mul3A_2] : memref<4096xi32, #tpu.memory_space<hbm>> -> memref<128xi32, #tpu.memory_space<hbm>>
      %dma_start3A_109 = tpu.memref_slice %arg2[%mul3A_2] : memref<4096xi32, #tpu.memory_space<hbm>> -> memref<128xi32, #tpu.memory_space<hbm>>
      tpu.enqueue_dma source(%dma_start3A_109 : memref<128xi32, #tpu.memory_space<hbm>>) target(%arg7 : memref<128xi32, #tpu.memory_space<vmem>>) target_semaphore(%run_scoped3A : memref<!tpu.dma_semaphore, #tpu.memory_space<semaphore_mem>>)
      %dma_wait3A_110 = tpu.memref_slice %arg2[%mul3A_2] : memref<4096xi32, #tpu.memory_space<hbm>> -> memref<128xi32, #tpu.memory_space<hbm>>
      %dma_wait3A_111 = tpu.memref_slice %arg2[%mul3A_2] : memref<4096xi32, #tpu.memory_space<hbm>> -> memref<128xi32, #tpu.memory_space<hbm>>
      tpu.wait_dma2 semaphore(%run_scoped3A : memref<!tpu.dma_semaphore, #tpu.memory_space<semaphore_mem>>) src(%dma_wait3A_111 : memref<128xi32, #tpu.memory_space<hbm>>) dst(%arg7 : memref<128xi32, #tpu.memory_space<vmem>>)
      tpu.yield
    }) : () -> ()
    "tpu.region"() ({
      %run_scoped3A = tpu.sem_alloc : memref<!tpu.dma_semaphore, #tpu.memory_space<semaphore_mem>>
      %dma_start3A = arith.constant 9984 : i32
      %dma_start3A_109 = tpu.memref_slice %arg6[%mul3A_2, %dma_start3A] : memref<4096x10000xf32, #tpu.memory_space<hbm>> -> memref<128x16xf32, #tpu.memory_space<hbm>>
      %dma_start3A_110 = arith.constant 0 : i32
      %dma_start3A_111 = tpu.memref_slice %arg5[%mul3A_2, %dma_start3A_110] : memref<4096x16xf32, #tpu.memory_space<hbm>> -> memref<128x16xf32, #tpu.memory_space<hbm>>
      tpu.enqueue_dma source(%dma_start3A_111 : memref<128x16xf32, #tpu.memory_space<hbm>>) target(%dma_start3A_109 : memref<128x16xf32, #tpu.memory_space<hbm>>) target_semaphore(%run_scoped3A : memref<!tpu.dma_semaphore, #tpu.memory_space<semaphore_mem>>)
      %dma_wait3A_112 = arith.constant 9984 : i32
      %dma_wait3A_113 = tpu.memref_slice %arg6[%mul3A_2, %dma_wait3A_112] : memref<4096x10000xf32, #tpu.memory_space<hbm>> -> memref<128x16xf32, #tpu.memory_space<hbm>>
      %dma_wait3A_114 = arith.constant 0 : i32
      %dma_wait3A_115 = tpu.memref_slice %arg5[%mul3A_2, %dma_wait3A_114] : memref<4096x16xf32, #tpu.memory_space<hbm>> -> memref<128x16xf32, #tpu.memory_space<hbm>>
      tpu.wait_dma2 semaphore(%run_scoped3A : memref<!tpu.dma_semaphore, #tpu.memory_space<semaphore_mem>>) src(%dma_wait3A_115 : memref<128x16xf32, #tpu.memory_space<hbm>>) dst(%dma_wait3A_113 : memref<128x16xf32, #tpu.memory_space<hbm>>)
      tpu.yield
    }) : () -> ()
    %scan3A = arith.constant 0 : i32
    %scan3A_3 = arith.constant 0 : i32
    %scan3A_4 = arith.constant 101 : i32
    %scan3A_5 = arith.addi %scan3A_3, %scan3A_4 : i32
    %scan3A_6 = arith.constant 1 : i32
    scf.for %scan3A_109 = %scan3A_3 to %scan3A_5 step %scan3A_6  : i32 {
      %lt3A = arith.constant 96 : i32
      %lt3A_110 = arith.cmpi slt, %scan3A_109, %lt3A : i32
      %convert_element_type3A = arith.extui %lt3A_110 : i1 to i32
      %cond3A = arith.constant 0 : i32
      %cond3A_111 = arith.cmpi ne, %convert_element_type3A, %cond3A : i32
      scf.if %cond3A_111 {
        %and3A_124 = arith.constant 15 : i32
        %and3A_125 = arith.andi %scan3A_109, %and3A_124 : i32
        %shift_right_logical3A_126 = arith.constant 4 : i32
        %shift_right_logical3A_127 = arith.shrui %scan3A_109, %shift_right_logical3A_126 : i32
        %rem3A = arith.constant 5 : i32
        %rem3A_128 = arith.remsi %scan3A_109, %rem3A : i32
        %mul3A_129 = arith.constant 8 : i32
        %mul3A_130 = arith.muli %and3A_125, %mul3A_129 : i32
        %add3A_131 = arith.addi %mul3A_2, %mul3A_130 : i32
        %mul3A_132 = arith.constant 1664 : i32
        %mul3A_133 = arith.muli %shift_right_logical3A_127, %mul3A_132 : i32
        %dma_start3A = arith.constant 0 : i32
        %dma_start3A_134 = arith.constant 0 : i32
        %dma_start3A_135 = tpu.memref_slice %arg8[%rem3A_128, %dma_start3A, %dma_start3A_134] : memref<5x8x1664xi32, #tpu.memory_space<vmem>> -> memref<1x8x1664xi32, #tpu.memory_space<vmem>>
        %dma_start3A_136 = tpu.memref_squeeze %dma_start3A_135 : memref<1x8x1664xi32, #tpu.memory_space<vmem>> -> memref<8x1664xi32, #tpu.memory_space<vmem>>
        %dma_start3A_137 = tpu.memref_slice %arg3[%add3A_131, %mul3A_133] : memref<4096x10000xi32, #tpu.memory_space<hbm>> -> memref<8x1664xi32, #tpu.memory_space<hbm>>
        %dma_start3A_138 = tpu.memref_slice %arg10[%rem3A_128] : memref<5x!tpu.dma_semaphore, #tpu.memory_space<semaphore_mem>> -> memref<1x!tpu.dma_semaphore, #tpu.memory_space<semaphore_mem>>
        %dma_start3A_139 = tpu.memref_squeeze %dma_start3A_138 : memref<1x!tpu.dma_semaphore, #tpu.memory_space<semaphore_mem>> -> memref<!tpu.dma_semaphore, #tpu.memory_space<semaphore_mem>>
        %dma_start3A_140 = arith.constant 0 : i32
        %dma_start3A_141 = arith.constant 0 : i32
        %dma_start3A_142 = tpu.memref_slice %arg8[%rem3A_128, %dma_start3A_140, %dma_start3A_141] : memref<5x8x1664xi32, #tpu.memory_space<vmem>> -> memref<1x8x1664xi32, #tpu.memory_space<vmem>>
        %dma_start3A_143 = tpu.memref_squeeze %dma_start3A_142 : memref<1x8x1664xi32, #tpu.memory_space<vmem>> -> memref<8x1664xi32, #tpu.memory_space<vmem>>
        %dma_start3A_144 = tpu.memref_slice %arg3[%add3A_131, %mul3A_133] : memref<4096x10000xi32, #tpu.memory_space<hbm>> -> memref<8x1664xi32, #tpu.memory_space<hbm>>
        tpu.enqueue_dma source(%dma_start3A_144 : memref<8x1664xi32, #tpu.memory_space<hbm>>) target(%dma_start3A_143 : memref<8x1664xi32, #tpu.memory_space<vmem>>) target_semaphore(%dma_start3A_139 : memref<!tpu.dma_semaphore, #tpu.memory_space<semaphore_mem>>)
      } else {
      }
      %ge3A = arith.constant 3 : i32
      %ge3A_112 = arith.cmpi sge, %scan3A_109, %ge3A : i32
      %lt3A_113 = arith.constant 99 : i32
      %lt3A_114 = arith.cmpi slt, %scan3A_109, %lt3A_113 : i32
      %and3A_115 = arith.andi %ge3A_112, %lt3A_114 : i1
      %convert_element_type3A_116 = arith.extui %and3A_115 : i1 to i32
      %cond3A_117 = arith.constant 0 : i32
      %cond3A_118 = arith.cmpi ne, %convert_element_type3A_116, %cond3A_117 : i32
      scf.if %cond3A_118 {
        %sub3A = arith.constant 3 : i32
        %sub3A_124 = arith.subi %scan3A_109, %sub3A : i32
        %and3A_125 = arith.constant 15 : i32
        %and3A_126 = arith.andi %sub3A_124, %and3A_125 : i32
        %shift_right_logical3A_127 = arith.constant 4 : i32
        %shift_right_logical3A_128 = arith.shrui %sub3A_124, %shift_right_logical3A_127 : i32
        %and3A_129 = arith.constant 3 : i32
        %and3A_130 = arith.andi %sub3A_124, %and3A_129 : i32
        %ge3A_131 = arith.constant 4 : i32
        %ge3A_132 = arith.cmpi sge, %sub3A_124, %ge3A_131 : i32
        %convert_element_type3A_133 = arith.extui %ge3A_132 : i1 to i32
        %cond3A_134 = arith.constant 0 : i32
        %cond3A_135 = arith.cmpi ne, %convert_element_type3A_133, %cond3A_134 : i32
        scf.if %cond3A_135 {
          %sub3A_195 = arith.constant 4 : i32
          %sub3A_196 = arith.subi %sub3A_124, %sub3A_195 : i32
          %and3A_197 = arith.constant 15 : i32
          %and3A_198 = arith.andi %sub3A_196, %and3A_197 : i32
          %shift_right_logical3A_199 = arith.constant 4 : i32
          %shift_right_logical3A_200 = arith.shrui %sub3A_196, %shift_right_logical3A_199 : i32
          %and3A_201 = arith.constant 3 : i32
          %and3A_202 = arith.andi %sub3A_196, %and3A_201 : i32
          %mul3A_203 = arith.constant 8 : i32
          %mul3A_204 = arith.muli %and3A_198, %mul3A_203 : i32
          %add3A_205 = arith.addi %mul3A_2, %mul3A_204 : i32
          %mul3A_206 = arith.constant 1664 : i32
          %mul3A_207 = arith.muli %shift_right_logical3A_200, %mul3A_206 : i32
          %dma_wait3A_208 = arith.constant 0 : i32
          %dma_wait3A_209 = arith.constant 0 : i32
          %dma_wait3A_210 = tpu.memref_slice %arg9[%and3A_202, %dma_wait3A_208, %dma_wait3A_209] : memref<4x8x1664xf32, #tpu.memory_space<vmem>> -> memref<1x8x1664xf32, #tpu.memory_space<vmem>>
          %dma_wait3A_211 = tpu.memref_squeeze %dma_wait3A_210 : memref<1x8x1664xf32, #tpu.memory_space<vmem>> -> memref<8x1664xf32, #tpu.memory_space<vmem>>
          %dma_wait3A_212 = tpu.memref_slice %arg6[%add3A_205, %mul3A_207] : memref<4096x10000xf32, #tpu.memory_space<hbm>> -> memref<8x1664xf32, #tpu.memory_space<hbm>>
          %dma_wait3A_213 = tpu.memref_slice %arg12[%and3A_202] : memref<4x!tpu.dma_semaphore, #tpu.memory_space<semaphore_mem>> -> memref<1x!tpu.dma_semaphore, #tpu.memory_space<semaphore_mem>>
          %dma_wait3A_214 = tpu.memref_squeeze %dma_wait3A_213 : memref<1x!tpu.dma_semaphore, #tpu.memory_space<semaphore_mem>> -> memref<!tpu.dma_semaphore, #tpu.memory_space<semaphore_mem>>
          %dma_wait3A_215 = tpu.memref_slice %arg6[%add3A_205, %mul3A_207] : memref<4096x10000xf32, #tpu.memory_space<hbm>> -> memref<8x1664xf32, #tpu.memory_space<hbm>>
          %dma_wait3A_216 = arith.constant 0 : i32
          %dma_wait3A_217 = arith.constant 0 : i32
          %dma_wait3A_218 = tpu.memref_slice %arg9[%and3A_202, %dma_wait3A_216, %dma_wait3A_217] : memref<4x8x1664xf32, #tpu.memory_space<vmem>> -> memref<1x8x1664xf32, #tpu.memory_space<vmem>>
          %dma_wait3A_219 = tpu.memref_squeeze %dma_wait3A_218 : memref<1x8x1664xf32, #tpu.memory_space<vmem>> -> memref<8x1664xf32, #tpu.memory_space<vmem>>
          tpu.wait_dma2 semaphore(%dma_wait3A_214 : memref<!tpu.dma_semaphore, #tpu.memory_space<semaphore_mem>>) src(%dma_wait3A_219 : memref<8x1664xf32, #tpu.memory_space<vmem>>) dst(%dma_wait3A_215 : memref<8x1664xf32, #tpu.memory_space<hbm>>)
        } else {
        }
        %and3A_136 = arith.constant 15 : i32
        %and3A_137 = arith.andi %sub3A_124, %and3A_136 : i32
        %shift_right_logical3A_138 = arith.constant 4 : i32
        %shift_right_logical3A_139 = arith.shrui %sub3A_124, %shift_right_logical3A_138 : i32
        %rem3A = arith.constant 5 : i32
        %rem3A_140 = arith.remsi %sub3A_124, %rem3A : i32
        %mul3A_141 = arith.constant 8 : i32
        %mul3A_142 = arith.muli %and3A_137, %mul3A_141 : i32
        %add3A_143 = arith.addi %mul3A_2, %mul3A_142 : i32
        %mul3A_144 = arith.constant 1664 : i32
        %mul3A_145 = arith.muli %shift_right_logical3A_139, %mul3A_144 : i32
        %dma_wait3A_146 = arith.constant 0 : i32
        %dma_wait3A_147 = arith.constant 0 : i32
        %dma_wait3A_148 = tpu.memref_slice %arg8[%rem3A_140, %dma_wait3A_146, %dma_wait3A_147] : memref<5x8x1664xi32, #tpu.memory_space<vmem>> -> memref<1x8x1664xi32, #tpu.memory_space<vmem>>
        %dma_wait3A_149 = tpu.memref_squeeze %dma_wait3A_148 : memref<1x8x1664xi32, #tpu.memory_space<vmem>> -> memref<8x1664xi32, #tpu.memory_space<vmem>>
        %dma_wait3A_150 = tpu.memref_slice %arg3[%add3A_143, %mul3A_145] : memref<4096x10000xi32, #tpu.memory_space<hbm>> -> memref<8x1664xi32, #tpu.memory_space<hbm>>
        %dma_wait3A_151 = tpu.memref_slice %arg10[%rem3A_140] : memref<5x!tpu.dma_semaphore, #tpu.memory_space<semaphore_mem>> -> memref<1x!tpu.dma_semaphore, #tpu.memory_space<semaphore_mem>>
        %dma_wait3A_152 = tpu.memref_squeeze %dma_wait3A_151 : memref<1x!tpu.dma_semaphore, #tpu.memory_space<semaphore_mem>> -> memref<!tpu.dma_semaphore, #tpu.memory_space<semaphore_mem>>
        %dma_wait3A_153 = arith.constant 0 : i32
        %dma_wait3A_154 = arith.constant 0 : i32
        %dma_wait3A_155 = tpu.memref_slice %arg8[%rem3A_140, %dma_wait3A_153, %dma_wait3A_154] : memref<5x8x1664xi32, #tpu.memory_space<vmem>> -> memref<1x8x1664xi32, #tpu.memory_space<vmem>>
        %dma_wait3A_156 = tpu.memref_squeeze %dma_wait3A_155 : memref<1x8x1664xi32, #tpu.memory_space<vmem>> -> memref<8x1664xi32, #tpu.memory_space<vmem>>
        %dma_wait3A_157 = tpu.memref_slice %arg3[%add3A_143, %mul3A_145] : memref<4096x10000xi32, #tpu.memory_space<hbm>> -> memref<8x1664xi32, #tpu.memory_space<hbm>>
        tpu.wait_dma2 semaphore(%dma_wait3A_152 : memref<!tpu.dma_semaphore, #tpu.memory_space<semaphore_mem>>) src(%dma_wait3A_157 : memref<8x1664xi32, #tpu.memory_space<hbm>>) dst(%dma_wait3A_156 : memref<8x1664xi32, #tpu.memory_space<vmem>>)
        %rem3A_158 = arith.constant 5 : i32
        %rem3A_159 = arith.remsi %sub3A_124, %rem3A_158 : i32
        %parallel_loop3A = arith.constant 0 : i32
        %parallel_loop3A_160 = arith.constant 1664 : i32
        %parallel_loop3A_161 = arith.constant 16 : i32
        scf.for %parallel_loop3A_195 = %parallel_loop3A to %parallel_loop3A_160 step %parallel_loop3A_161  : i32 {
          %parallel_loop3A_196 = arith.constant 0 : i32
          %parallel_loop3A_197 = arith.index_cast %rem3A_159 : i32 to index
          %parallel_loop3A_198 = arith.index_cast %parallel_loop3A_196 : i32 to index
          %parallel_loop3A_199 = arith.index_cast %parallel_loop3A_195 : i32 to index
          %parallel_loop3A_200 = tpu.vector_load %arg8[%parallel_loop3A_197, %parallel_loop3A_198, %parallel_loop3A_199] {strides = array<i32>} : memref<5x8x1664xi32, #tpu.memory_space<vmem>>, vector<1x1x16xi32>,
          %parallel_loop3A_201 = vector.shape_cast %parallel_loop3A_200 : vector<1x1x16xi32> to vector<16xi32>
          %parallel_loop3A_202 = arith.constant -8388608 : i32
          %parallel_loop3A_203 = vector.broadcast %parallel_loop3A_202 : i32 to vector<16xi32>
          %parallel_loop3A_204 = arith.muli %parallel_loop3A_201, %parallel_loop3A_203 : vector<16xi32>
          %parallel_loop3A_205 = tpu.bitcast %parallel_loop3A_204 : vector<16xi32> -> vector<16xf32>
          %parallel_loop3A_206 = arith.constant 0 : i32
          %parallel_loop3A_207 = arith.index_cast %and3A_130 : i32 to index
          %parallel_loop3A_208 = arith.index_cast %parallel_loop3A_206 : i32 to index
          %parallel_loop3A_209 = arith.index_cast %parallel_loop3A_195 : i32 to index
          %parallel_loop3A_210 = tpu.vector_load %arg9[%parallel_loop3A_207, %parallel_loop3A_208, %parallel_loop3A_209] {strides = array<i32>} : memref<4x8x1664xf32, #tpu.memory_space<vmem>>, vector<1x1x16xf32>,
          %parallel_loop3A_211 = vector.shape_cast %parallel_loop3A_210 : vector<1x1x16xf32> to vector<16xf32>
          %parallel_loop3A_212 = vector.shape_cast %parallel_loop3A_205 : vector<16xf32> to vector<1x1x16xf32>
          tpu.vector_store %arg9[%parallel_loop3A_207, %parallel_loop3A_208, %parallel_loop3A_209], %parallel_loop3A_212 {strides = array<i32>} : memref<4x8x1664xf32, #tpu.memory_space<vmem>>, vector<1x1x16xf32>,
        } {sc.loop_unroll_factor = 4 : i64, sc.parallel_access}
        %parallel_loop3A_162 = arith.constant 0 : i32
        %parallel_loop3A_163 = arith.constant 1664 : i32
        %parallel_loop3A_164 = arith.constant 16 : i32
        scf.for %parallel_loop3A_195 = %parallel_loop3A_162 to %parallel_loop3A_163 step %parallel_loop3A_164  : i32 {
          %parallel_loop3A_196 = arith.constant 1 : i32
          %parallel_loop3A_197 = arith.index_cast %rem3A_159 : i32 to index
          %parallel_loop3A_198 = arith.index_cast %parallel_loop3A_196 : i32 to index
          %parallel_loop3A_199 = arith.index_cast %parallel_loop3A_195 : i32 to index
          %parallel_loop3A_200 = tpu.vector_load %arg8[%parallel_loop3A_197, %parallel_loop3A_198, %parallel_loop3A_199] {strides = array<i32>} : memref<5x8x1664xi32, #tpu.memory_space<vmem>>, vector<1x1x16xi32>,
          %parallel_loop3A_201 = vector.shape_cast %parallel_loop3A_200 : vector<1x1x16xi32> to vector<16xi32>
          %parallel_loop3A_202 = arith.constant -8388608 : i32
          %parallel_loop3A_203 = vector.broadcast %parallel_loop3A_202 : i32 to vector<16xi32>
          %parallel_loop3A_204 = arith.muli %parallel_loop3A_201, %parallel_loop3A_203 : vector<16xi32>
          %parallel_loop3A_205 = tpu.bitcast %parallel_loop3A_204 : vector<16xi32> -> vector<16xf32>
          %parallel_loop3A_206 = arith.constant 1 : i32
          %parallel_loop3A_207 = arith.index_cast %and3A_130 : i32 to index
          %parallel_loop3A_208 = arith.index_cast %parallel_loop3A_206 : i32 to index
          %parallel_loop3A_209 = arith.index_cast %parallel_loop3A_195 : i32 to index
          %parallel_loop3A_210 = tpu.vector_load %arg9[%parallel_loop3A_207, %parallel_loop3A_208, %parallel_loop3A_209] {strides = array<i32>} : memref<4x8x1664xf32, #tpu.memory_space<vmem>>, vector<1x1x16xf32>,
          %parallel_loop3A_211 = vector.shape_cast %parallel_loop3A_210 : vector<1x1x16xf32> to vector<16xf32>
          %parallel_loop3A_212 = vector.shape_cast %parallel_loop3A_205 : vector<16xf32> to vector<1x1x16xf32>
          tpu.vector_store %arg9[%parallel_loop3A_207, %parallel_loop3A_208, %parallel_loop3A_209], %parallel_loop3A_212 {strides = array<i32>} : memref<4x8x1664xf32, #tpu.memory_space<vmem>>, vector<1x1x16xf32>,
        } {sc.loop_unroll_factor = 4 : i64, sc.parallel_access}
        %parallel_loop3A_165 = arith.constant 0 : i32
        %parallel_loop3A_166 = arith.constant 1664 : i32
        %parallel_loop3A_167 = arith.constant 16 : i32
        scf.for %parallel_loop3A_195 = %parallel_loop3A_165 to %parallel_loop3A_166 step %parallel_loop3A_167  : i32 {
          %parallel_loop3A_196 = arith.constant 2 : i32
          %parallel_loop3A_197 = arith.index_cast %rem3A_159 : i32 to index
          %parallel_loop3A_198 = arith.index_cast %parallel_loop3A_196 : i32 to index
          %parallel_loop3A_199 = arith.index_cast %parallel_loop3A_195 : i32 to index
          %parallel_loop3A_200 = tpu.vector_load %arg8[%parallel_loop3A_197, %parallel_loop3A_198, %parallel_loop3A_199] {strides = array<i32>} : memref<5x8x1664xi32, #tpu.memory_space<vmem>>, vector<1x1x16xi32>,
          %parallel_loop3A_201 = vector.shape_cast %parallel_loop3A_200 : vector<1x1x16xi32> to vector<16xi32>
          %parallel_loop3A_202 = arith.constant -8388608 : i32
          %parallel_loop3A_203 = vector.broadcast %parallel_loop3A_202 : i32 to vector<16xi32>
          %parallel_loop3A_204 = arith.muli %parallel_loop3A_201, %parallel_loop3A_203 : vector<16xi32>
          %parallel_loop3A_205 = tpu.bitcast %parallel_loop3A_204 : vector<16xi32> -> vector<16xf32>
          %parallel_loop3A_206 = arith.constant 2 : i32
          %parallel_loop3A_207 = arith.index_cast %and3A_130 : i32 to index
          %parallel_loop3A_208 = arith.index_cast %parallel_loop3A_206 : i32 to index
          %parallel_loop3A_209 = arith.index_cast %parallel_loop3A_195 : i32 to index
          %parallel_loop3A_210 = tpu.vector_load %arg9[%parallel_loop3A_207, %parallel_loop3A_208, %parallel_loop3A_209] {strides = array<i32>} : memref<4x8x1664xf32, #tpu.memory_space<vmem>>, vector<1x1x16xf32>,
          %parallel_loop3A_211 = vector.shape_cast %parallel_loop3A_210 : vector<1x1x16xf32> to vector<16xf32>
          %parallel_loop3A_212 = vector.shape_cast %parallel_loop3A_205 : vector<16xf32> to vector<1x1x16xf32>
          tpu.vector_store %arg9[%parallel_loop3A_207, %parallel_loop3A_208, %parallel_loop3A_209], %parallel_loop3A_212 {strides = array<i32>} : memref<4x8x1664xf32, #tpu.memory_space<vmem>>, vector<1x1x16xf32>,
        } {sc.loop_unroll_factor = 4 : i64, sc.parallel_access}
        %parallel_loop3A_168 = arith.constant 0 : i32
        %parallel_loop3A_169 = arith.constant 1664 : i32
        %parallel_loop3A_170 = arith.constant 16 : i32
        scf.for %parallel_loop3A_195 = %parallel_loop3A_168 to %parallel_loop3A_169 step %parallel_loop3A_170  : i32 {
          %parallel_loop3A_196 = arith.constant 3 : i32
          %parallel_loop3A_197 = arith.index_cast %rem3A_159 : i32 to index
          %parallel_loop3A_198 = arith.index_cast %parallel_loop3A_196 : i32 to index
          %parallel_loop3A_199 = arith.index_cast %parallel_loop3A_195 : i32 to index
          %parallel_loop3A_200 = tpu.vector_load %arg8[%parallel_loop3A_197, %parallel_loop3A_198, %parallel_loop3A_199] {strides = array<i32>} : memref<5x8x1664xi32, #tpu.memory_space<vmem>>, vector<1x1x16xi32>,
          %parallel_loop3A_201 = vector.shape_cast %parallel_loop3A_200 : vector<1x1x16xi32> to vector<16xi32>
          %parallel_loop3A_202 = arith.constant -8388608 : i32
          %parallel_loop3A_203 = vector.broadcast %parallel_loop3A_202 : i32 to vector<16xi32>
          %parallel_loop3A_204 = arith.muli %parallel_loop3A_201, %parallel_loop3A_203 : vector<16xi32>
          %parallel_loop3A_205 = tpu.bitcast %parallel_loop3A_204 : vector<16xi32> -> vector<16xf32>
          %parallel_loop3A_206 = arith.constant 3 : i32
          %parallel_loop3A_207 = arith.index_cast %and3A_130 : i32 to index
          %parallel_loop3A_208 = arith.index_cast %parallel_loop3A_206 : i32 to index
          %parallel_loop3A_209 = arith.index_cast %parallel_loop3A_195 : i32 to index
          %parallel_loop3A_210 = tpu.vector_load %arg9[%parallel_loop3A_207, %parallel_loop3A_208, %parallel_loop3A_209] {strides = array<i32>} : memref<4x8x1664xf32, #tpu.memory_space<vmem>>, vector<1x1x16xf32>,
          %parallel_loop3A_211 = vector.shape_cast %parallel_loop3A_210 : vector<1x1x16xf32> to vector<16xf32>
          %parallel_loop3A_212 = vector.shape_cast %parallel_loop3A_205 : vector<16xf32> to vector<1x1x16xf32>
          tpu.vector_store %arg9[%parallel_loop3A_207, %parallel_loop3A_208, %parallel_loop3A_209], %parallel_loop3A_212 {strides = array<i32>} : memref<4x8x1664xf32, #tpu.memory_space<vmem>>, vector<1x1x16xf32>,
        } {sc.loop_unroll_factor = 4 : i64, sc.parallel_access}
        %parallel_loop3A_171 = arith.constant 0 : i32
        %parallel_loop3A_172 = arith.constant 1664 : i32
        %parallel_loop3A_173 = arith.constant 16 : i32
        scf.for %parallel_loop3A_195 = %parallel_loop3A_171 to %parallel_loop3A_172 step %parallel_loop3A_173  : i32 {
          %parallel_loop3A_196 = arith.constant 4 : i32
          %parallel_loop3A_197 = arith.index_cast %rem3A_159 : i32 to index
          %parallel_loop3A_198 = arith.index_cast %parallel_loop3A_196 : i32 to index
          %parallel_loop3A_199 = arith.index_cast %parallel_loop3A_195 : i32 to index
          %parallel_loop3A_200 = tpu.vector_load %arg8[%parallel_loop3A_197, %parallel_loop3A_198, %parallel_loop3A_199] {strides = array<i32>} : memref<5x8x1664xi32, #tpu.memory_space<vmem>>, vector<1x1x16xi32>,
          %parallel_loop3A_201 = vector.shape_cast %parallel_loop3A_200 : vector<1x1x16xi32> to vector<16xi32>
          %parallel_loop3A_202 = arith.constant -8388608 : i32
          %parallel_loop3A_203 = vector.broadcast %parallel_loop3A_202 : i32 to vector<16xi32>
          %parallel_loop3A_204 = arith.muli %parallel_loop3A_201, %parallel_loop3A_203 : vector<16xi32>
          %parallel_loop3A_205 = tpu.bitcast %parallel_loop3A_204 : vector<16xi32> -> vector<16xf32>
          %parallel_loop3A_206 = arith.constant 4 : i32
          %parallel_loop3A_207 = arith.index_cast %and3A_130 : i32 to index
          %parallel_loop3A_208 = arith.index_cast %parallel_loop3A_206 : i32 to index
          %parallel_loop3A_209 = arith.index_cast %parallel_loop3A_195 : i32 to index
          %parallel_loop3A_210 = tpu.vector_load %arg9[%parallel_loop3A_207, %parallel_loop3A_208, %parallel_loop3A_209] {strides = array<i32>} : memref<4x8x1664xf32, #tpu.memory_space<vmem>>, vector<1x1x16xf32>,
          %parallel_loop3A_211 = vector.shape_cast %parallel_loop3A_210 : vector<1x1x16xf32> to vector<16xf32>
          %parallel_loop3A_212 = vector.shape_cast %parallel_loop3A_205 : vector<16xf32> to vector<1x1x16xf32>
          tpu.vector_store %arg9[%parallel_loop3A_207, %parallel_loop3A_208, %parallel_loop3A_209], %parallel_loop3A_212 {strides = array<i32>} : memref<4x8x1664xf32, #tpu.memory_space<vmem>>, vector<1x1x16xf32>,
        } {sc.loop_unroll_factor = 4 : i64, sc.parallel_access}
        %parallel_loop3A_174 = arith.constant 0 : i32
        %parallel_loop3A_175 = arith.constant 1664 : i32
        %parallel_loop3A_176 = arith.constant 16 : i32
        scf.for %parallel_loop3A_195 = %parallel_loop3A_174 to %parallel_loop3A_175 step %parallel_loop3A_176  : i32 {
          %parallel_loop3A_196 = arith.constant 5 : i32
          %parallel_loop3A_197 = arith.index_cast %rem3A_159 : i32 to index
          %parallel_loop3A_198 = arith.index_cast %parallel_loop3A_196 : i32 to index
          %parallel_loop3A_199 = arith.index_cast %parallel_loop3A_195 : i32 to index
          %parallel_loop3A_200 = tpu.vector_load %arg8[%parallel_loop3A_197, %parallel_loop3A_198, %parallel_loop3A_199] {strides = array<i32>} : memref<5x8x1664xi32, #tpu.memory_space<vmem>>, vector<1x1x16xi32>,
          %parallel_loop3A_201 = vector.shape_cast %parallel_loop3A_200 : vector<1x1x16xi32> to vector<16xi32>
          %parallel_loop3A_202 = arith.constant -8388608 : i32
          %parallel_loop3A_203 = vector.broadcast %parallel_loop3A_202 : i32 to vector<16xi32>
          %parallel_loop3A_204 = arith.muli %parallel_loop3A_201, %parallel_loop3A_203 : vector<16xi32>
          %parallel_loop3A_205 = tpu.bitcast %parallel_loop3A_204 : vector<16xi32> -> vector<16xf32>
          %parallel_loop3A_206 = arith.constant 5 : i32
          %parallel_loop3A_207 = arith.index_cast %and3A_130 : i32 to index
          %parallel_loop3A_208 = arith.index_cast %parallel_loop3A_206 : i32 to index
          %parallel_loop3A_209 = arith.index_cast %parallel_loop3A_195 : i32 to index
          %parallel_loop3A_210 = tpu.vector_load %arg9[%parallel_loop3A_207, %parallel_loop3A_208, %parallel_loop3A_209] {strides = array<i32>} : memref<4x8x1664xf32, #tpu.memory_space<vmem>>, vector<1x1x16xf32>,
          %parallel_loop3A_211 = vector.shape_cast %parallel_loop3A_210 : vector<1x1x16xf32> to vector<16xf32>
          %parallel_loop3A_212 = vector.shape_cast %parallel_loop3A_205 : vector<16xf32> to vector<1x1x16xf32>
          tpu.vector_store %arg9[%parallel_loop3A_207, %parallel_loop3A_208, %parallel_loop3A_209], %parallel_loop3A_212 {strides = array<i32>} : memref<4x8x1664xf32, #tpu.memory_space<vmem>>, vector<1x1x16xf32>,
        } {sc.loop_unroll_factor = 4 : i64, sc.parallel_access}
        %parallel_loop3A_177 = arith.constant 0 : i32
        %parallel_loop3A_178 = arith.constant 1664 : i32
        %parallel_loop3A_179 = arith.constant 16 : i32
        scf.for %parallel_loop3A_195 = %parallel_loop3A_177 to %parallel_loop3A_178 step %parallel_loop3A_179  : i32 {
          %parallel_loop3A_196 = arith.constant 6 : i32
          %parallel_loop3A_197 = arith.index_cast %rem3A_159 : i32 to index
          %parallel_loop3A_198 = arith.index_cast %parallel_loop3A_196 : i32 to index
          %parallel_loop3A_199 = arith.index_cast %parallel_loop3A_195 : i32 to index
          %parallel_loop3A_200 = tpu.vector_load %arg8[%parallel_loop3A_197, %parallel_loop3A_198, %parallel_loop3A_199] {strides = array<i32>} : memref<5x8x1664xi32, #tpu.memory_space<vmem>>, vector<1x1x16xi32>,
          %parallel_loop3A_201 = vector.shape_cast %parallel_loop3A_200 : vector<1x1x16xi32> to vector<16xi32>
          %parallel_loop3A_202 = arith.constant -8388608 : i32
          %parallel_loop3A_203 = vector.broadcast %parallel_loop3A_202 : i32 to vector<16xi32>
          %parallel_loop3A_204 = arith.muli %parallel_loop3A_201, %parallel_loop3A_203 : vector<16xi32>
          %parallel_loop3A_205 = tpu.bitcast %parallel_loop3A_204 : vector<16xi32> -> vector<16xf32>
          %parallel_loop3A_206 = arith.constant 6 : i32
          %parallel_loop3A_207 = arith.index_cast %and3A_130 : i32 to index
          %parallel_loop3A_208 = arith.index_cast %parallel_loop3A_206 : i32 to index
          %parallel_loop3A_209 = arith.index_cast %parallel_loop3A_195 : i32 to index
          %parallel_loop3A_210 = tpu.vector_load %arg9[%parallel_loop3A_207, %parallel_loop3A_208, %parallel_loop3A_209] {strides = array<i32>} : memref<4x8x1664xf32, #tpu.memory_space<vmem>>, vector<1x1x16xf32>,
          %parallel_loop3A_211 = vector.shape_cast %parallel_loop3A_210 : vector<1x1x16xf32> to vector<16xf32>
          %parallel_loop3A_212 = vector.shape_cast %parallel_loop3A_205 : vector<16xf32> to vector<1x1x16xf32>
          tpu.vector_store %arg9[%parallel_loop3A_207, %parallel_loop3A_208, %parallel_loop3A_209], %parallel_loop3A_212 {strides = array<i32>} : memref<4x8x1664xf32, #tpu.memory_space<vmem>>, vector<1x1x16xf32>,
        } {sc.loop_unroll_factor = 4 : i64, sc.parallel_access}
        %parallel_loop3A_180 = arith.constant 0 : i32
        %parallel_loop3A_181 = arith.constant 1664 : i32
        %parallel_loop3A_182 = arith.constant 16 : i32
        scf.for %parallel_loop3A_195 = %parallel_loop3A_180 to %parallel_loop3A_181 step %parallel_loop3A_182  : i32 {
          %parallel_loop3A_196 = arith.constant 7 : i32
          %parallel_loop3A_197 = arith.index_cast %rem3A_159 : i32 to index
          %parallel_loop3A_198 = arith.index_cast %parallel_loop3A_196 : i32 to index
          %parallel_loop3A_199 = arith.index_cast %parallel_loop3A_195 : i32 to index
          %parallel_loop3A_200 = tpu.vector_load %arg8[%parallel_loop3A_197, %parallel_loop3A_198, %parallel_loop3A_199] {strides = array<i32>} : memref<5x8x1664xi32, #tpu.memory_space<vmem>>, vector<1x1x16xi32>,
          %parallel_loop3A_201 = vector.shape_cast %parallel_loop3A_200 : vector<1x1x16xi32> to vector<16xi32>
          %parallel_loop3A_202 = arith.constant -8388608 : i32
          %parallel_loop3A_203 = vector.broadcast %parallel_loop3A_202 : i32 to vector<16xi32>
          %parallel_loop3A_204 = arith.muli %parallel_loop3A_201, %parallel_loop3A_203 : vector<16xi32>
          %parallel_loop3A_205 = tpu.bitcast %parallel_loop3A_204 : vector<16xi32> -> vector<16xf32>
          %parallel_loop3A_206 = arith.constant 7 : i32
          %parallel_loop3A_207 = arith.index_cast %and3A_130 : i32 to index
          %parallel_loop3A_208 = arith.index_cast %parallel_loop3A_206 : i32 to index
          %parallel_loop3A_209 = arith.index_cast %parallel_loop3A_195 : i32 to index
          %parallel_loop3A_210 = tpu.vector_load %arg9[%parallel_loop3A_207, %parallel_loop3A_208, %parallel_loop3A_209] {strides = array<i32>} : memref<4x8x1664xf32, #tpu.memory_space<vmem>>, vector<1x1x16xf32>,
          %parallel_loop3A_211 = vector.shape_cast %parallel_loop3A_210 : vector<1x1x16xf32> to vector<16xf32>
          %parallel_loop3A_212 = vector.shape_cast %parallel_loop3A_205 : vector<16xf32> to vector<1x1x16xf32>
          tpu.vector_store %arg9[%parallel_loop3A_207, %parallel_loop3A_208, %parallel_loop3A_209], %parallel_loop3A_212 {strides = array<i32>} : memref<4x8x1664xf32, #tpu.memory_space<vmem>>, vector<1x1x16xf32>,
        } {sc.loop_unroll_factor = 4 : i64, sc.parallel_access}
        %mul3A_183 = arith.constant 8 : i32
        %mul3A_184 = arith.muli %and3A_126, %mul3A_183 : i32
        %mul3A_185 = arith.constant 1664 : i32
        %mul3A_186 = arith.muli %shift_right_logical3A_128, %mul3A_185 : i32
        %dma_start3A = arith.constant 0 : i32
        %dma_start3A_187 = arith.constant 0 : i32
        %dma_start3A_188 = tpu.memref_slice %arg9[%and3A_130, %dma_start3A, %dma_start3A_187] : memref<4x8x1664xf32, #tpu.memory_space<vmem>> -> memref<1x8x1664xf32, #tpu.memory_space<vmem>>
        %dma_start3A_189 = tpu.memref_squeeze %dma_start3A_188 : memref<1x8x1664xf32, #tpu.memory_space<vmem>> -> memref<8x1664xf32, #tpu.memory_space<vmem>>
        %dma_start3A_190 = tpu.memref_slice %arg7[%mul3A_184] : memref<128xi32, #tpu.memory_space<vmem>> -> memref<8xi32, #tpu.memory_space<vmem>>
        %dma_start3A_191 = arith.constant 0 : i32
        %dma_start3A_192 = tpu.memref_slice %arg4[%dma_start3A_191, %mul3A_186] : memref<10000x10000xf32, #tpu.memory_space<hbm>> -> memref<10000x1664xf32, #tpu.memory_space<hbm>>
        %dma_start3A_193 = tpu.memref_slice %arg11[%and3A_130] : memref<4x!tpu.dma_semaphore, #tpu.memory_space<semaphore_mem>> -> memref<1x!tpu.dma_semaphore, #tpu.memory_space<semaphore_mem>>
        %dma_start3A_194 = tpu.memref_squeeze %dma_start3A_193 : memref<1x!tpu.dma_semaphore, #tpu.memory_space<semaphore_mem>> -> memref<!tpu.dma_semaphore, #tpu.memory_space<semaphore_mem>>
        tpu.enqueue_indirect_dma source(%dma_start3A_192 : memref<10000x1664xf32, #tpu.memory_space<hbm>>) target(%dma_start3A_189 : memref<8x1664xf32, #tpu.memory_space<vmem>>) offsets(%dma_start3A_190 : memref<8xi32, #tpu.memory_space<vmem>>) semaphore(%dma_start3A_194 : memref<!tpu.dma_semaphore, #tpu.memory_space<semaphore_mem>>) {add = true}
      } else {
      }
      %ge3A_119 = arith.constant 5 : i32
      %ge3A_120 = arith.cmpi sge, %scan3A_109, %ge3A_119 : i32
      %convert_element_type3A_121 = arith.extui %ge3A_120 : i1 to i32
      %cond3A_122 = arith.constant 0 : i32
      %cond3A_123 = arith.cmpi ne, %convert_element_type3A_121, %cond3A_122 : i32
      scf.if %cond3A_123 {
        %sub3A = arith.constant 5 : i32
        %sub3A_124 = arith.subi %scan3A_109, %sub3A : i32
        %and3A_125 = arith.constant 15 : i32
        %and3A_126 = arith.andi %sub3A_124, %and3A_125 : i32
        %shift_right_logical3A_127 = arith.constant 4 : i32
        %shift_right_logical3A_128 = arith.shrui %sub3A_124, %shift_right_logical3A_127 : i32
        %and3A_129 = arith.constant 3 : i32
        %and3A_130 = arith.andi %sub3A_124, %and3A_129 : i32
        %mul3A_131 = arith.constant 8 : i32
        %mul3A_132 = arith.muli %and3A_126, %mul3A_131 : i32
        %mul3A_133 = arith.constant 1664 : i32
        %mul3A_134 = arith.muli %shift_right_logical3A_128, %mul3A_133 : i32
        %dma_wait3A_135 = arith.constant 0 : i32
        %dma_wait3A_136 = arith.constant 0 : i32
        %dma_wait3A_137 = tpu.memref_slice %arg9[%and3A_130, %dma_wait3A_135, %dma_wait3A_136] : memref<4x8x1664xf32, #tpu.memory_space<vmem>> -> memref<1x8x1664xf32, #tpu.memory_space<vmem>>
        %dma_wait3A_138 = tpu.memref_squeeze %dma_wait3A_137 : memref<1x8x1664xf32, #tpu.memory_space<vmem>> -> memref<8x1664xf32, #tpu.memory_space<vmem>>
        %dma_wait3A_139 = tpu.memref_slice %arg7[%mul3A_132] : memref<128xi32, #tpu.memory_space<vmem>> -> memref<8xi32, #tpu.memory_space<vmem>>
        %dma_wait3A_140 = arith.constant 0 : i32
        %dma_wait3A_141 = tpu.memref_slice %arg4[%dma_wait3A_140, %mul3A_134] : memref<10000x10000xf32, #tpu.memory_space<hbm>> -> memref<10000x1664xf32, #tpu.memory_space<hbm>>
        %dma_wait3A_142 = tpu.memref_slice %arg11[%and3A_130] : memref<4x!tpu.dma_semaphore, #tpu.memory_space<semaphore_mem>> -> memref<1x!tpu.dma_semaphore, #tpu.memory_space<semaphore_mem>>
        %dma_wait3A_143 = tpu.memref_squeeze %dma_wait3A_142 : memref<1x!tpu.dma_semaphore, #tpu.memory_space<semaphore_mem>> -> memref<!tpu.dma_semaphore, #tpu.memory_space<semaphore_mem>>
        tpu.wait_indirect_dma semaphore(%dma_wait3A_143 : memref<!tpu.dma_semaphore, #tpu.memory_space<semaphore_mem>>) src(%dma_wait3A_141 : memref<10000x1664xf32, #tpu.memory_space<hbm>>) dst(%dma_wait3A_138 : memref<8x1664xf32, #tpu.memory_space<vmem>>)
        %and3A_144 = arith.constant 15 : i32
        %and3A_145 = arith.andi %sub3A_124, %and3A_144 : i32
        %shift_right_logical3A_146 = arith.constant 4 : i32
        %shift_right_logical3A_147 = arith.shrui %sub3A_124, %shift_right_logical3A_146 : i32
        %and3A_148 = arith.constant 3 : i32
        %and3A_149 = arith.andi %sub3A_124, %and3A_148 : i32
        %mul3A_150 = arith.constant 8 : i32
        %mul3A_151 = arith.muli %and3A_145, %mul3A_150 : i32
        %add3A_152 = arith.addi %mul3A_2, %mul3A_151 : i32
        %mul3A_153 = arith.constant 1664 : i32
        %mul3A_154 = arith.muli %shift_right_logical3A_147, %mul3A_153 : i32
        %dma_start3A = arith.constant 0 : i32
        %dma_start3A_155 = arith.constant 0 : i32
        %dma_start3A_156 = tpu.memref_slice %arg9[%and3A_149, %dma_start3A, %dma_start3A_155] : memref<4x8x1664xf32, #tpu.memory_space<vmem>> -> memref<1x8x1664xf32, #tpu.memory_space<vmem>>
        %dma_start3A_157 = tpu.memref_squeeze %dma_start3A_156 : memref<1x8x1664xf32, #tpu.memory_space<vmem>> -> memref<8x1664xf32, #tpu.memory_space<vmem>>
        %dma_start3A_158 = tpu.memref_slice %arg6[%add3A_152, %mul3A_154] : memref<4096x10000xf32, #tpu.memory_space<hbm>> -> memref<8x1664xf32, #tpu.memory_space<hbm>>
        %dma_start3A_159 = tpu.memref_slice %arg12[%and3A_149] : memref<4x!tpu.dma_semaphore, #tpu.memory_space<semaphore_mem>> -> memref<1x!tpu.dma_semaphore, #tpu.memory_space<semaphore_mem>>
        %dma_start3A_160 = tpu.memref_squeeze %dma_start3A_159 : memref<1x!tpu.dma_semaphore, #tpu.memory_space<semaphore_mem>> -> memref<!tpu.dma_semaphore, #tpu.memory_space<semaphore_mem>>
        %dma_start3A_161 = tpu.memref_slice %arg6[%add3A_152, %mul3A_154] : memref<4096x10000xf32, #tpu.memory_space<hbm>> -> memref<8x1664xf32, #tpu.memory_space<hbm>>
        %dma_start3A_162 = arith.constant 0 : i32
        %dma_start3A_163 = arith.constant 0 : i32
        %dma_start3A_164 = tpu.memref_slice %arg9[%and3A_149, %dma_start3A_162, %dma_start3A_163] : memref<4x8x1664xf32, #tpu.memory_space<vmem>> -> memref<1x8x1664xf32, #tpu.memory_space<vmem>>
        %dma_start3A_165 = tpu.memref_squeeze %dma_start3A_164 : memref<1x8x1664xf32, #tpu.memory_space<vmem>> -> memref<8x1664xf32, #tpu.memory_space<vmem>>
        tpu.enqueue_dma source(%dma_start3A_165 : memref<8x1664xf32, #tpu.memory_space<vmem>>) target(%dma_start3A_161 : memref<8x1664xf32, #tpu.memory_space<hbm>>) target_semaphore(%dma_start3A_160 : memref<!tpu.dma_semaphore, #tpu.memory_space<semaphore_mem>>)
      } else {
      }
    }
    %scan3A_7 = arith.constant 101 : i32
    %and3A = arith.constant 92 : i32
    %and3A_8 = arith.constant 15 : i32
    %and3A_9 = arith.andi %and3A, %and3A_8 : i32
    %shift_right_logical3A = arith.constant 92 : i32
    %shift_right_logical3A_10 = arith.constant 4 : i32
    %shift_right_logical3A_11 = arith.shrui %shift_right_logical3A, %shift_right_logical3A_10 : i32
    %and3A_12 = arith.constant 92 : i32
    %and3A_13 = arith.constant 3 : i32
    %and3A_14 = arith.andi %and3A_12, %and3A_13 : i32
    %mul3A_15 = arith.constant 8 : i32
    %mul3A_16 = arith.muli %and3A_9, %mul3A_15 : i32
    %add3A_17 = arith.addi %mul3A_2, %mul3A_16 : i32
    %mul3A_18 = arith.constant 1664 : i32
    %mul3A_19 = arith.muli %shift_right_logical3A_11, %mul3A_18 : i32
    %dma_wait3A = arith.constant 0 : i32
    %dma_wait3A_20 = arith.constant 0 : i32
    %dma_wait3A_21 = tpu.memref_slice %arg9[%and3A_14, %dma_wait3A, %dma_wait3A_20] : memref<4x8x1664xf32, #tpu.memory_space<vmem>> -> memref<1x8x1664xf32, #tpu.memory_space<vmem>>
    %dma_wait3A_22 = tpu.memref_squeeze %dma_wait3A_21 : memref<1x8x1664xf32, #tpu.memory_space<vmem>> -> memref<8x1664xf32, #tpu.memory_space<vmem>>
    %dma_wait3A_23 = tpu.memref_slice %arg6[%add3A_17, %mul3A_19] : memref<4096x10000xf32, #tpu.memory_space<hbm>> -> memref<8x1664xf32, #tpu.memory_space<hbm>>
    %dma_wait3A_24 = tpu.memref_slice %arg12[%and3A_14] : memref<4x!tpu.dma_semaphore, #tpu.memory_space<semaphore_mem>> -> memref<1x!tpu.dma_semaphore, #tpu.memory_space<semaphore_mem>>
    %dma_wait3A_25 = tpu.memref_squeeze %dma_wait3A_24 : memref<1x!tpu.dma_semaphore, #tpu.memory_space<semaphore_mem>> -> memref<!tpu.dma_semaphore, #tpu.memory_space<semaphore_mem>>
    %dma_wait3A_26 = tpu.memref_slice %arg6[%add3A_17, %mul3A_19] : memref<4096x10000xf32, #tpu.memory_space<hbm>> -> memref<8x1664xf32, #tpu.memory_space<hbm>>
    %dma_wait3A_27 = arith.constant 0 : i32
    %dma_wait3A_28 = arith.constant 0 : i32
    %dma_wait3A_29 = tpu.memref_slice %arg9[%and3A_14, %dma_wait3A_27, %dma_wait3A_28] : memref<4x8x1664xf32, #tpu.memory_space<vmem>> -> memref<1x8x1664xf32, #tpu.memory_space<vmem>>
    %dma_wait3A_30 = tpu.memref_squeeze %dma_wait3A_29 : memref<1x8x1664xf32, #tpu.memory_space<vmem>> -> memref<8x1664xf32, #tpu.memory_space<vmem>>
    tpu.wait_dma2 semaphore(%dma_wait3A_25 : memref<!tpu.dma_semaphore, #tpu.memory_space<semaphore_mem>>) src(%dma_wait3A_30 : memref<8x1664xf32, #tpu.memory_space<vmem>>) dst(%dma_wait3A_26 : memref<8x1664xf32, #tpu.memory_space<hbm>>)
    %and3A_31 = arith.constant 93 : i32
    %and3A_32 = arith.constant 15 : i32
    %and3A_33 = arith.andi %and3A_31, %and3A_32 : i32
    %shift_right_logical3A_34 = arith.constant 93 : i32
    %shift_right_logical3A_35 = arith.constant 4 : i32
    %shift_right_logical3A_36 = arith.shrui %shift_right_logical3A_34, %shift_right_logical3A_35 : i32
    %and3A_37 = arith.constant 93 : i32
    %and3A_38 = arith.constant 3 : i32
    %and3A_39 = arith.andi %and3A_37, %and3A_38 : i32
    %mul3A_40 = arith.constant 8 : i32
    %mul3A_41 = arith.muli %and3A_33, %mul3A_40 : i32
    %add3A_42 = arith.addi %mul3A_2, %mul3A_41 : i32
    %mul3A_43 = arith.constant 1664 : i32
    %mul3A_44 = arith.muli %shift_right_logical3A_36, %mul3A_43 : i32
    %dma_wait3A_45 = arith.constant 0 : i32
    %dma_wait3A_46 = arith.constant 0 : i32
    %dma_wait3A_47 = tpu.memref_slice %arg9[%and3A_39, %dma_wait3A_45, %dma_wait3A_46] : memref<4x8x1664xf32, #tpu.memory_space<vmem>> -> memref<1x8x1664xf32, #tpu.memory_space<vmem>>
    %dma_wait3A_48 = tpu.memref_squeeze %dma_wait3A_47 : memref<1x8x1664xf32, #tpu.memory_space<vmem>> -> memref<8x1664xf32, #tpu.memory_space<vmem>>
    %dma_wait3A_49 = tpu.memref_slice %arg6[%add3A_42, %mul3A_44] : memref<4096x10000xf32, #tpu.memory_space<hbm>> -> memref<8x1664xf32, #tpu.memory_space<hbm>>
    %dma_wait3A_50 = tpu.memref_slice %arg12[%and3A_39] : memref<4x!tpu.dma_semaphore, #tpu.memory_space<semaphore_mem>> -> memref<1x!tpu.dma_semaphore, #tpu.memory_space<semaphore_mem>>
    %dma_wait3A_51 = tpu.memref_squeeze %dma_wait3A_50 : memref<1x!tpu.dma_semaphore, #tpu.memory_space<semaphore_mem>> -> memref<!tpu.dma_semaphore, #tpu.memory_space<semaphore_mem>>
    %dma_wait3A_52 = tpu.memref_slice %arg6[%add3A_42, %mul3A_44] : memref<4096x10000xf32, #tpu.memory_space<hbm>> -> memref<8x1664xf32, #tpu.memory_space<hbm>>
    %dma_wait3A_53 = arith.constant 0 : i32
    %dma_wait3A_54 = arith.constant 0 : i32
    %dma_wait3A_55 = tpu.memref_slice %arg9[%and3A_39, %dma_wait3A_53, %dma_wait3A_54] : memref<4x8x1664xf32, #tpu.memory_space<vmem>> -> memref<1x8x1664xf32, #tpu.memory_space<vmem>>
    %dma_wait3A_56 = tpu.memref_squeeze %dma_wait3A_55 : memref<1x8x1664xf32, #tpu.memory_space<vmem>> -> memref<8x1664xf32, #tpu.memory_space<vmem>>
    tpu.wait_dma2 semaphore(%dma_wait3A_51 : memref<!tpu.dma_semaphore, #tpu.memory_space<semaphore_mem>>) src(%dma_wait3A_56 : memref<8x1664xf32, #tpu.memory_space<vmem>>) dst(%dma_wait3A_52 : memref<8x1664xf32, #tpu.memory_space<hbm>>)
    %and3A_57 = arith.constant 94 : i32
    %and3A_58 = arith.constant 15 : i32
    %and3A_59 = arith.andi %and3A_57, %and3A_58 : i32
    %shift_right_logical3A_60 = arith.constant 94 : i32
    %shift_right_logical3A_61 = arith.constant 4 : i32
    %shift_right_logical3A_62 = arith.shrui %shift_right_logical3A_60, %shift_right_logical3A_61 : i32
    %and3A_63 = arith.constant 94 : i32
    %and3A_64 = arith.constant 3 : i32
    %and3A_65 = arith.andi %and3A_63, %and3A_64 : i32
    %mul3A_66 = arith.constant 8 : i32
    %mul3A_67 = arith.muli %and3A_59, %mul3A_66 : i32
    %add3A_68 = arith.addi %mul3A_2, %mul3A_67 : i32
    %mul3A_69 = arith.constant 1664 : i32
    %mul3A_70 = arith.muli %shift_right_logical3A_62, %mul3A_69 : i32
    %dma_wait3A_71 = arith.constant 0 : i32
    %dma_wait3A_72 = arith.constant 0 : i32
    %dma_wait3A_73 = tpu.memref_slice %arg9[%and3A_65, %dma_wait3A_71, %dma_wait3A_72] : memref<4x8x1664xf32, #tpu.memory_space<vmem>> -> memref<1x8x1664xf32, #tpu.memory_space<vmem>>
    %dma_wait3A_74 = tpu.memref_squeeze %dma_wait3A_73 : memref<1x8x1664xf32, #tpu.memory_space<vmem>> -> memref<8x1664xf32, #tpu.memory_space<vmem>>
    %dma_wait3A_75 = tpu.memref_slice %arg6[%add3A_68, %mul3A_70] : memref<4096x10000xf32, #tpu.memory_space<hbm>> -> memref<8x1664xf32, #tpu.memory_space<hbm>>
    %dma_wait3A_76 = tpu.memref_slice %arg12[%and3A_65] : memref<4x!tpu.dma_semaphore, #tpu.memory_space<semaphore_mem>> -> memref<1x!tpu.dma_semaphore, #tpu.memory_space<semaphore_mem>>
    %dma_wait3A_77 = tpu.memref_squeeze %dma_wait3A_76 : memref<1x!tpu.dma_semaphore, #tpu.memory_space<semaphore_mem>> -> memref<!tpu.dma_semaphore, #tpu.memory_space<semaphore_mem>>
    %dma_wait3A_78 = tpu.memref_slice %arg6[%add3A_68, %mul3A_70] : memref<4096x10000xf32, #tpu.memory_space<hbm>> -> memref<8x1664xf32, #tpu.memory_space<hbm>>
    %dma_wait3A_79 = arith.constant 0 : i32
    %dma_wait3A_80 = arith.constant 0 : i32
    %dma_wait3A_81 = tpu.memref_slice %arg9[%and3A_65, %dma_wait3A_79, %dma_wait3A_80] : memref<4x8x1664xf32, #tpu.memory_space<vmem>> -> memref<1x8x1664xf32, #tpu.memory_space<vmem>>
    %dma_wait3A_82 = tpu.memref_squeeze %dma_wait3A_81 : memref<1x8x1664xf32, #tpu.memory_space<vmem>> -> memref<8x1664xf32, #tpu.memory_space<vmem>>
    tpu.wait_dma2 semaphore(%dma_wait3A_77 : memref<!tpu.dma_semaphore, #tpu.memory_space<semaphore_mem>>) src(%dma_wait3A_82 : memref<8x1664xf32, #tpu.memory_space<vmem>>) dst(%dma_wait3A_78 : memref<8x1664xf32, #tpu.memory_space<hbm>>)
    %and3A_83 = arith.constant 95 : i32
    %and3A_84 = arith.constant 15 : i32
    %and3A_85 = arith.andi %and3A_83, %and3A_84 : i32
    %shift_right_logical3A_86 = arith.constant 95 : i32
    %shift_right_logical3A_87 = arith.constant 4 : i32
    %shift_right_logical3A_88 = arith.shrui %shift_right_logical3A_86, %shift_right_logical3A_87 : i32
    %and3A_89 = arith.constant 95 : i32
    %and3A_90 = arith.constant 3 : i32
    %and3A_91 = arith.andi %and3A_89, %and3A_90 : i32
    %mul3A_92 = arith.constant 8 : i32
    %mul3A_93 = arith.muli %and3A_85, %mul3A_92 : i32
    %add3A_94 = arith.addi %mul3A_2, %mul3A_93 : i32
    %mul3A_95 = arith.constant 1664 : i32
    %mul3A_96 = arith.muli %shift_right_logical3A_88, %mul3A_95 : i32
    %dma_wait3A_97 = arith.constant 0 : i32
    %dma_wait3A_98 = arith.constant 0 : i32
    %dma_wait3A_99 = tpu.memref_slice %arg9[%and3A_91, %dma_wait3A_97, %dma_wait3A_98] : memref<4x8x1664xf32, #tpu.memory_space<vmem>> -> memref<1x8x1664xf32, #tpu.memory_space<vmem>>
    %dma_wait3A_100 = tpu.memref_squeeze %dma_wait3A_99 : memref<1x8x1664xf32, #tpu.memory_space<vmem>> -> memref<8x1664xf32, #tpu.memory_space<vmem>>
    %dma_wait3A_101 = tpu.memref_slice %arg6[%add3A_94, %mul3A_96] : memref<4096x10000xf32, #tpu.memory_space<hbm>> -> memref<8x1664xf32, #tpu.memory_space<hbm>>
    %dma_wait3A_102 = tpu.memref_slice %arg12[%and3A_91] : memref<4x!tpu.dma_semaphore, #tpu.memory_space<semaphore_mem>> -> memref<1x!tpu.dma_semaphore, #tpu.memory_space<semaphore_mem>>
    %dma_wait3A_103 = tpu.memref_squeeze %dma_wait3A_102 : memref<1x!tpu.dma_semaphore, #tpu.memory_space<semaphore_mem>> -> memref<!tpu.dma_semaphore, #tpu.memory_space<semaphore_mem>>
    %dma_wait3A_104 = tpu.memref_slice %arg6[%add3A_94, %mul3A_96] : memref<4096x10000xf32, #tpu.memory_space<hbm>> -> memref<8x1664xf32, #tpu.memory_space<hbm>>
    %dma_wait3A_105 = arith.constant 0 : i32
    %dma_wait3A_106 = arith.constant 0 : i32
    %dma_wait3A_107 = tpu.memref_slice %arg9[%and3A_91, %dma_wait3A_105, %dma_wait3A_106] : memref<4x8x1664xf32, #tpu.memory_space<vmem>> -> memref<1x8x1664xf32, #tpu.memory_space<vmem>>
    %dma_wait3A_108 = tpu.memref_squeeze %dma_wait3A_107 : memref<1x8x1664xf32, #tpu.memory_space<vmem>> -> memref<8x1664xf32, #tpu.memory_space<vmem>>
    tpu.wait_dma2 semaphore(%dma_wait3A_103 : memref<!tpu.dma_semaphore, #tpu.memory_space<semaphore_mem>>) src(%dma_wait3A_108 : memref<8x1664xf32, #tpu.memory_space<vmem>>) dst(%dma_wait3A_104 : memref<8x1664xf32, #tpu.memory_space<hbm>>)
    return
  }
}

</mosaic_0001>

<sc_bundles>
// kernel: gather_offload_async_start
scs
__scs_entry_jumppad:
0x0: {  	(pc) =	sbr.rel $0x88, $3  }
0x1: {  	(tag) =	ssettag $0x0;
	lr =	simm.s32 $0x1  }
0x2: {  	[smem:$0x3F9E] =	sst lr;
	_ =	strace $0xD0000000  }
0x3: {  	_ = 	snop  }
0x4: {  	_ = 	snop  }
0x5: {  	_ = 	snop  }
0x6: {  	_ = 	snop  }
0x7: {  	_ = 	snop  }
__scs_overlays_trampoline_lowered:
0x8: {  	[smem:$0x3FAD] =	sst s0  }
0x9: {  	[smem:$0x3FAE] =	sst s1  }
0xa: {  	[smem:$0x3FAF] =	sst s2  }
0xb: {  	[smem:$0x3FB0] =	sst s3  }
0xc: {  	[smem:$0x3FB1] =	sst s4  }
0xd: {  	[smem:$0x3FB2] =	sst s5  }
0xe: {  	[smem:$0x3FB3] =	sst s6  }
0xf: {  	[smem:$0x3FB4] =	sst s7  }
0x10: {  	[smem:$0x3FB5] =	sst s8  }
0x11: {  	[smem:$0x3FB6] =	sst s9;
	s0 =	simm.s32 @!p0 $0x0  }
0x12: {  	s1 =	sld [smem:$0x3F9C];
	s0 =	simm.s32 @p0 $0x1  }
0x13: {  	[smem:$0x3FB7] =	sst s0;
	s0 =	simm.s32 @!p1 $0x0  }
0x14: {  	s2 =	sld [smem:$0x3F9B];
	s0 =	simm.s32 @p1 $0x1  }
0x15: {  	[smem:$0x3FB8] =	sst s0;
	s0 =	simm.s32 @!p2 $0x0  }
0x16: {  	s3 =	sld [smem:$0x3FDB];
	s0 =	simm.s32 @p2 $0x1  }
0x17: {  	s4 =	simm.s32 $0x1BF5;
	[smem:$0x3FBA] =	sst s0  }
0x18: {  	s0 =	sld [smem:$0x3F9D];
	_ =	swait.ge [sflag:s4], $0x0  }
0x19: {  	s7 =	sld [smem:$0x3F9E]  }
0x1a: {  	s8 =	sadd.s32 $0xFFFFE003, lr  }
0x1b: {  	s9 =	sadd.s32 $0xFFFFFEF7, lr;
	s5 =	simm.s32 $0xFFFFFFFF;
	p2 =	slt.u32 s8, $0xFFFFF086  }
0x1c: {  	p1 =	slt.u32 s9, $0xF7A;
	s5 =	simm.s32 @!p2 $0x0  }
0x1d: {  	s5 =	simm.s32 @p1 $0x1;
	p0 =	seq.s32 s7, s2  }
0x1e: {  	s7 =	smul.u32 @!p0 $0xF7A, s2;
	p2 =	seq.s32 @!p0 s5, $0x0  }
0x1f: {  	s9 =	smul.u32 $0xF7A, s1;
	s8 =	simm.s32 @!p0 $0x1BF5;
	p2 =	por !p2, p0  }
0x20: {  	[sflag:s8] =	ssyncset.s32 @!p0 $0xFFFFF086;
	s6 =	sadd.s32 @!p0 s3, s7;
	s7 =	simm.s32 @!p0 $0x108  }
0x21: {  	s3 =	sadd.s32 s3, s9;
	s6 =	sadd.s32 @!p0 $0x88, s6;
	s7 =	simm.s32 @p2 $0x1082  }
0x22: {  	[simem:s7], [sflag:s8] =	dma.local @!p0 [hbm:s6], $0xF7A  }
0x23: {  	s9 =	sor.u32 $0xD0000000, s2;
	s6 =	simm.s32 $0x108;
	_ =	swait.ge @!p0 [sflag:s8], $0x0  }
0x24: {  	s3 =	sadd.s32 $0x88, s3;
	s6 =	simm.s32 @!p1 $0x1082;
	[sflag:s4] =	ssyncset.s32 $0xFFFFF086  }
0x25: {  	[simem:s6], [sflag:s4] =	dma.local [hbm:s3], $0xF7A  }
0x26: {  	[smem:$0x3F9E] =	sst s1;
	(tag) =	ssettag s2;
	_ =	strace s9  }
0x27: {  	s1 =	sld [smem:$0x3FAE]  }
0x28: {  	s2 =	sld [smem:$0x3FAF]  }
0x29: {  	s4 =	sld [smem:$0x3FB1]  }
0x2a: {  	p0 =	seq.s32 s5, $0x0;
	s5 =	sld [smem:$0x3FB2]  }
0x2b: {  	s6 =	sld [smem:$0x3FB3]  }
0x2c: {  	s7 =	sld [smem:$0x3FB4]  }
0x2d: {  	s3 =	simm.s32 $0x108;
	s8 =	sld [smem:$0x3FB5]  }
0x2e: {  	s3 =	simm.s32 @!p0 $0x1082;
	s9 =	sld [smem:$0x3FB6]  }
0x2f: {  	lr =	sadd.s32 s0, s3;
	s0 =	sld [smem:$0x3FAD]  }
0x30: {  	s3 =	sld [smem:$0x3FB0]  }
0x31: {  	[smem:$0x3FB9] =	sst s10  }
0x32: {  	s10 =	sld [smem:$0x3FB7];
	_ =	sdelay $0x3  }
0x33: {  	p0 =	seq.s32 s10, $0x1;
	s10 =	sld [smem:$0x3FB9];
	_ =	sdelay $0x3  }
0x34: {  	[smem:$0x3FB9] =	sst s10  }
0x35: {  	s10 =	sld [smem:$0x3FB8];
	_ =	sdelay $0x3  }
0x36: {  	p1 =	seq.s32 s10, $0x1;
	s10 =	sld [smem:$0x3FB9];
	_ =	sdelay $0x3  }
0x37: {  	[smem:$0x3FB9] =	sst s10  }
0x38: {  	s10 =	sld [smem:$0x3FBA]  }
0x39: {  	_ = 	snop;
	(pc) =	sbr.ind lr, $3  }
0x3a: {  	_ = 	snop  }
0x3b: {  	_ = 	snop  }
0x3c: {  	p2 =	seq.s32 s10, $0x1;
	s10 =	sld [smem:$0x3FB9]  }
0x3d: {  	_ =	shalt  }
0x3e: {  	_ =	shalt  }
0x3f: {  	_ =	shalt  }
0x40: {  	_ =	shalt  }
0x41: {  	_ =	shalt  }
0x42: {  	_ =	shalt  }
0x43: {  	_ =	shalt  }
0x44: {  	_ =	shalt  }
0x45: {  	_ =	shalt  }
0x46: {  	_ =	shalt  }
0x47: {  	_ =	shalt  }
0x48: {  	_ =	shalt  }
0x49: {  	_ =	shalt  }
0x4a: {  	_ =	shalt  }
0x4b: {  	_ =	shalt  }
0x4c: {  	_ =	shalt  }
0x4d: {  	_ =	shalt  }
0x4e: {  	_ =	shalt  }
0x4f: {  	_ =	shalt  }
0x50: {  	_ =	shalt  }
0x51: {  	_ =	shalt  }
0x52: {  	_ =	shalt  }
0x53: {  	_ =	shalt  }
0x54: {  	_ =	shalt  }
0x55: {  	_ =	shalt  }
0x56: {  	_ =	shalt  }
0x57: {  	_ =	shalt  }
0x58: {  	_ =	shalt  }
0x59: {  	_ =	shalt  }
0x5a: {  	_ =	shalt  }
0x5b: {  	_ =	shalt  }
0x5c: {  	_ =	shalt  }
0x5d: {  	_ =	shalt  }
0x5e: {  	_ =	shalt  }
0x5f: {  	_ =	shalt  }
0x60: {  	_ =	shalt  }
0x61: {  	_ =	shalt  }
0x62: {  	_ =	shalt  }
0x63: {  	_ =	shalt  }
0x64: {  	_ =	shalt  }
0x65: {  	_ =	shalt  }
0x66: {  	_ =	shalt  }
0x67: {  	_ =	shalt  }
0x68: {  	_ =	shalt  }
0x69: {  	_ =	shalt  }
0x6a: {  	_ =	shalt  }
0x6b: {  	_ =	shalt  }
0x6c: {  	_ =	shalt  }
0x6d: {  	_ =	shalt  }
0x6e: {  	_ =	shalt  }
0x6f: {  	_ =	shalt  }
0x70: {  	_ =	shalt  }
0x71: {  	_ =	shalt  }
0x72: {  	_ =	shalt  }
0x73: {  	_ =	shalt  }
0x74: {  	_ =	shalt  }
0x75: {  	_ =	shalt  }
0x76: {  	_ =	shalt  }
0x77: {  	_ =	shalt  }
0x78: {  	_ =	shalt  }
0x79: {  	_ =	shalt  }
0x7a: {  	_ =	shalt  }
0x7b: {  	_ =	shalt  }
0x7c: {  	_ =	shalt  }
0x7d: {  	_ =	shalt  }
0x7e: {  	_ =	shalt  }
0x7f: {  	_ =	shalt  }
0x80: {  	_ =	shalt  }
0x81: {  	_ =	shalt  }
0x82: {  	_ =	shalt  }
0x83: {  	_ =	shalt  }
0x84: {  	_ =	shalt  }
0x85: {  	_ =	shalt  }
0x86: {  	_ =	shalt  }
0x87: {  	_ =	shalt  }
.Lfunc_end0:
.L_simem_size_0:
called_computation_lowered:
.L_overlay_start_0:
0x88: {  	s2 =	sld [smem:$0x3FD9]  }
0x89: {  	s3 =	sld [smem:$0x3FFE];
	_ =	sdelay $0x1  }
0x8a: {  	s1 =	srdreg.scid  }
0x8b: {  	s0 =	sand.u32 $0x1, s1  }
0x8c: {  	s17 =	sshll.u32 s0, $0xA;
	s2 =	sadd.s32 s3, s2  }
0x8d: {  	s2 =	sadd.s32 s2, s17  }
0x8e: {  	[smem:$0x3FC5] =	sst s2  }
0x8f: {  	_ = 	snop  }
0x90: {  	s2 =	sld [smem:$0x3FD0];
	(tm) =	ssettm $0x1  }
0x91: {  	s18 =	sld [smem:$0x3FFB];
	_ =	sdelay $0x3  }
0x92: {  	_ =	strace s18  }
0x93: {  	s3 =	sld [smem:$0x3FFC];
	_ =	sdelay $0x3  }
0x94: {  	_ =	strace s3  }
0x95: {  	s3 =	sld [smem:$0x3FFD];
	_ =	sdelay $0x3  }
0x96: {  	_ =	strace s3  }
0x97: {  	_ =	strace $0x8FFFFFFF  }
0x98: {  	s19 =	sld [smem:$0x3FDB];
	_ =	sdelay $0x1  }
0x99: {  	s4 =	simm.s32 $_scs_section_size  }
0x9a: {  	s5 =	simm.s32 $_size__tile_overlayer_lowered;
	s6 =	simm.s32 $_tile_overlayer_lowered  }
0x9b: {  	s22 =	simm.s32 $0x1BFF;
	s21 =	sshll.u32 s6, $0x1;
	s3 =	sadd.s32 s4, s19  }
0x9c: {  	s7 =	simm.s32 $0x0;
	s20 =	sshll.u32 s5, $0x1;
	s5 =	sadd.s32 s21, s3  }
0x9d: {  	[timem:s7], [sflag:s22] =	dma.local [hbm:s5], s20  }
0x9e: {  	_ =	swait.ge [sflag:s22], s20  }
0x9f: {  	s4 =	ssub.s32 $0x0, s20;
	[sflag:s22] =	ssyncset.done $0x0  }
0xa0: {  	[sflag:s22] =	ssyncadd.s32 s4;
	_ =	sdelay $0x1  }
0xa1: {  	s23 =	simm.s32 $0x1B8B  }
0xa2: {  	_ =	swait.ge [sflag:s23], $0x1  }
0xa3: {  	[sflag:s23] =	ssyncset.done $0x0  }
0xa4: {  	s25 =	simm.s32 $0x1B8E;
	s24 =	sld [smem:$0x3FFE];
	[sflag:s23] =	ssyncadd.s32 $0xFFFFFFFF  }
0xa5: {  	s26 =	simm.s32 $execute0_lowered;
	[smem:$0x3FD2] =	sst s25  }
0xa6: {  	s5 =	sshll.u32 s26, $0x1;
	_ =	strace $0x80000046;
	[dreg:$0x1] =	wrdreg $0xFFFFFFFF  }
0xa7: {  	s28 =	simm.s32 $_size_execute0_lowered;
	s3 =	sadd.s32 s3, s5;
	[dreg:$0x0] =	wrdreg $0x0  }
0xa8: {  	s5 =	sshll.u32 s28, $0x1;
	[dreg:$0x2] =	wrdreg s3  }
0xa9: {  	[dreg:$0x3] =	wrdreg s5  }
0xaa: {  	[dreg:$0x4] =	wrdreg $0xC0  }
0xab: {  	_ =	task [dreg:s7], $0x5FFFF  }
0xac: {  	[dreg:$0x1] =	wrdreg $0xFFFFFFFF  }
0xad: {  	[dreg:$0x0] =	wrdreg $0x60  }
0xae: {  	[dreg:$0x2] =	wrdreg s2  }
0xaf: {  	[dreg:$0x3] =	wrdreg s24  }
0xb0: {  	[dreg:$0x4] =	wrdreg $0x9  }
0xb1: {  	_ =	task.clear_ibuf [dreg:s7], $0x5FFFF;
	_ =	strace $0x90000046  }
0xb2: {  	s29 =	simm.s32 $0x9;
	_ =	strace $0x80000048  }
0xb3: {  	_ =	swait.ge [sflag:s29], $0x1  }
0xb4: {  	[sflag:s29] =	ssyncadd.s32 $0xFFFFFFFF  }
0xb5: {  	_ =	strace $0x90000048  }
0xb6: {  	_ =	sfence  }
0xb7: {  	s30 =	sld [smem:$0x0];
	_ =	sdelay $0x2  }
0xb8: {  	s31 =	sshll.u32 s1, $0xD;
	s1 =	sshrl.u32 s1, $0x2  }
0xb9: {  	s3 =	sand.u32 $0x4000, s31;
	s1 =	sadd.s32 s1, s30  }
0xba: {  	s0 =	sor.u32 s3, s0;
	s1 =	sshll.u32 s1, $0x11  }
0xbb: {  	s0 =	sor.u32 s1, s0  }
0xbc: {  	s0 =	sadd.s32 $0x8F2B, s0  }
0xbd: {  	[sflag:s0] =	ssyncadd.remote.s32 $0x1  }
0xbe: {  	_ =	sfence.sel $0xFFFF  }
0xbf: {  	[dreg:$0x0] =	wrdreg $0xFFFFFFFF;
	(pc) =	sbr.abs _section_cstart, $3  }
0xc0: {  	[dreg:$0x1] =	wrdreg $0xFFFFFFFF  }
0xc1: {  	_ =	task.clear_ibuf [dreg:s7], $0x2FFFF;
	_ =	strace $0x9FFFFFFF  }
0xc2: {  	(tm) =	ssettm $0x7FFFFFFF  }
0xc3: {  	_ =	shalt  }
tec
execute0_lowered:
.L_overlay_start_1:
0x0: {  	(tag) =	ssettag $0x1  }
0x1: {  	s2 =	rddreg [dreg:$0x0]  }
0x2: {  	s7 =	rddreg [dreg:$0x1]  }
0x3: {  	s0 =	rddreg [dreg:$0x2]  }
0x4: {  	s1 =	srdreg.scid;
	_ =	strace $0x80000047;
	s4 =	simm.s32 $0x1  }
0x5: {  	s9 =	simm.s32 $0x3;
	s12 =	simm.s32 $0x0;
	s5 =	sshll.u32 s1, $0x4  }
.Ltmp0:
0x6: {  	s1 =	stileid.u32;
	s5 =	sand.u32 $0x10, s5;
	(pc) =	sbr.rel .LBB2_1-.Ltmp0, $4  }
0x7: {  	s10 =	simm.s32 $0x0;
	s3 =	sadd.s32 $0xA00, s7;
	s6 =	sor.u32 s1, s5  }
0x8: {  	[sflag:s4] =	ssyncpa.u1 $0x0;
	s5 =	simm.s32 $0x2;
	s6 =	sshll.u32 s6, $0x7  }
0x9: {  	s7 =	sadd.s32 $0xC00, s7;
	[sflag:s5] =	ssyncpa.u1 $0x0;
	s8 =	sadd.s32 $0x80, s6  }
0xa: {  	vm0 =	vmmov $0xff;
	vm1 =	vcmask $0x3F20;
	[sflag:s9] =	ssyncpa.u1 $0x0;
	s9 =	simm.s32 $0x80;
	s11 =	smov.u32 s6  }
.LBB2_9:
0xb: {  	p0 =	seq.s32 s10, $0x2  }
.Ltmp1:
0xc: {  	_ = 	snop;
	(pc) =	sbr.rel @p0 .LBB2_11-.Ltmp1, $1  }
0xd: {  	_ =	sdelay $0x3  }
.LBB2_10:
0xe: {  	s12 =	sadd.s32 $0x80, s11  }
0xf: {  	s13 =	smov.u32 s6;
	p0 =	slt.s32 s12, s8  }
0x10: {  	s13 =	smov.u32 @p0 s12  }
0x11: {  	s10 =	sadd.s32 $0x1, s10;
	s12 =	smov.u32 s11;
	s11 =	smov.u32 s13  }
.LBB2_1:
0x12: {  	p0 =	sne.s32 s10, $0x0  }
.Ltmp2:
0x13: {  	_ = 	snop;
	(pc) =	sbr.rel @!p0 .LBB2_2-.Ltmp2, $1  }
0x14: {  	_ =	sdelay $0x3  }
0x15: {  	s13 =	sand.u32 $0x1, s10  }
0x16: {  	p0 =	seq.s32 s13, $0x0  }
.Ltmp3:
0x17: {  	_ = 	snop;
	(pc) =	sbr.rel @p0 .LBB2_9-.Ltmp3, $1  }
0x18: {  	_ =	sdelay $0x3  }
0x19: {  	_ =	swait.ge [sflag:s5], $0x80  }
0x1a: {  	[sflag:s5] =	ssyncset.done $0x0  }
0x1b: {  	s13 =	simm.s32 $0x0;
	[sflag:s5] =	ssyncadd.s32 $0xFFFFFF80  }
0x1c: {  	v0 =	vld.msk [tilespmem:s13+$0x80 ss:$0x1], $0xffff;
	_ =	sdelay $0x4  }
0x1d: {  	vm2 =	vgt.s32 v0, $0x0  }
0x1e: {  	v0 =	vnsel vm2, $0x0, v0  }
0x1f: {  	v0 =	vmin.u32 v0, $0x270F  }
0x20: {  	v0 =	vshll.u32 v0, $0x4;
	_ =	sdelay $0x3  }
0x21: {  	s13 =	simm.s32 $0x4100  }
0x22: {  	[tilespmem:s13], [sflag:$0x1] =	stream.indirect_vreg.gather [hbm:s2], $0x80, v0, vm0, $0x38;
	[tilespmem:$0x8100] =	vst v63  }
0x23: {  	s14 =	simm.s32 $0x4500;
	s31 =	simm.s32 $0x10  }
0x24: {  	[tilespmem:s14], [sflag:$0x1] =	stream.indirect_vreg.gather [hbm:s2], $0x80, v0, vm1, $0x38;
	[tilespmem:$0x8100] =	vst v63  }
0x25: {  	s14 =	simm.s32 $0x80;
	v0 =	vld.msk [tilespmem:s31+$0x80 ss:$0x1], $0xffff  }
.LBB2_5:
0x26: {  	p0 =	sne.s32 s14, $0x1C0;
	_ =	sdelay $0x4  }
0x27: {  	vm2 =	vgt.s32 v0, $0x0  }
0x28: {  	v0 =	vnsel vm2, $0x0, v0  }
0x29: {  	v0 =	vmin.u32 v0, $0x270F  }
0x2a: {  	v0 =	vshll.u32 v0, $0x4;
	_ =	sdelay $0x3  }
.Ltmp4:
0x2b: {  	s13 =	sadd.s32 $0x800, s13;
	(pc) =	sbr.rel @p0 .LBB2_5-.Ltmp4, $4  }
0x2c: {  	[tilespmem:s13], [sflag:$0x1] =	stream.indirect_vreg.gather [hbm:s2], $0x80, v0, vm0, $0x38;
	[tilespmem:$0x8100] =	vst v63  }
0x2d: {  	s15 =	sshra.s32 s14, $0x2;
	s16 =	sadd.s32 $0x400, s13  }
0x2e: {  	[tilespmem:s16], [sflag:$0x1] =	stream.indirect_vreg.gather [hbm:s2], $0x80, v0, vm1, $0x38;
	[tilespmem:$0x8100] =	vst v63  }
0x2f: {  	s14 =	sadd.s32 $0x40, s14;
	v0 =	vld.msk [tilespmem:s15+$0x80 ss:$0x1], $0xffff  }
0x30: {  	_ =	sdelay $0x3  }
0x31: {  	vm2 =	vgt.s32 v0, $0x0  }
0x32: {  	v0 =	vnsel vm2, $0x0, v0  }
0x33: {  	v0 =	vmin.u32 v0, $0x270F  }
0x34: {  	v0 =	vshll.u32 v0, $0x4;
	_ =	sdelay $0x3  }
0x35: {  	s13 =	sadd.s32 $0x800, s13  }
0x36: {  	[tilespmem:s13], [sflag:$0x1] =	stream.indirect_vreg.gather [hbm:s2], $0x80, v0, vm0, $0x38;
	[tilespmem:$0x8100] =	vst v63  }
0x37: {  	s13 =	sadd.s32 $0x400, s13  }
0x38: {  	[tilespmem:s13], [sflag:$0x1] =	stream.indirect_vreg.gather [hbm:s2], $0x80, v0, vm1, $0x38;
	[tilespmem:$0x8100] =	vst v63  }
0x39: {  	s12 =	sshll.u32 s12, $0x4;
	s14 =	simm.s32 $0x80;
	_ =	swait.ge [sflag:s4], $0x4000  }
0x3a: {  	s15 =	simm.s32 $0x4500;
	s12 =	sadd.s32 s12, s7;
	[sflag:s4] =	ssyncset.done $0x0  }
0x3b: {  	s16 =	sadd.s32 $0x0, s12;
	s13 =	simm.s32 $0x4100;
	[sflag:s4] =	ssyncadd.s32 $0xFFFFC000  }
.LBB2_7:
0x3c: {  	[hbm:s16] =	stream.linear.scatter [tilespmem:s13], [sflag:$0x3], $0x400, $0x38;
	[tilespmem:$0x8100] =	vst v63  }
0x3d: {  	s16 =	smov.u32 s14;
	s13 =	smov.u32 s15;
	p0 =	sne.s32 s14, $0x780  }
.Ltmp5:
0x3e: {  	s14 =	sadd.s32 $0x80, s14;
	(pc) =	sbr.rel @p0 .LBB2_7-.Ltmp5, $2  }
0x3f: {  	_ =	sdelay $0x2  }
0x40: {  	s15 =	sadd.s32 $0x400, s15;
	s16 =	sadd.s32 s16, s12  }
.Ltmp6:
0x41: {  	(pc) =	sbr.rel .LBB2_9-.Ltmp6, $2  }
0x42: {  	_ =	sdelay $0x2  }
0x43: {  	[hbm:s16] =	stream.linear.scatter [tilespmem:s13], [sflag:$0x3], $0x400, $0x38;
	[tilespmem:$0x8100] =	vst v63  }
.LBB2_2:
.Ltmp7:
0x44: {  	(pc) =	sbr.rel .LBB2_10-.Ltmp7, $4  }
0x45: {  	_ = 	snop  }
0x46: {  	s12 =	sshrl.u32 s11, $0x3  }
0x47: {  	s13 =	sand.u32 $0x7, s11;
	s12 =	sadd.s32 s3, s12  }
0x48: {  	[tilespmem:s9], [sflag:$0x2] =	stream.linear.gather [hbm4b:s12+s13], $0x80, $0x38;
	[tilespmem:$0x8100] =	vst v63  }
.LBB2_11:
0x49: {  	s2 =	simm.s32 $0x3  }
0x4a: {  	_ =	swait.ge [sflag:s2], $0x4000  }
0x4b: {  	[sflag:s2] =	ssyncset.done $0x0  }
0x4c: {  	[sflag:s2] =	ssyncadd.s32 $0xFFFFC000  }
0x4d: {  	_ =	sfence.sel $0x180000  }
0x4e: {  	s3 =	simm.s32 $0x2;
	[bflag:$0x0] =	sbarrier.arrive $0xFFFF  }
0x4f: {  	[sflag:s3] =	ssyncpa.u1 $0x1  }
0x50: {  	s31 =	simm.s32 $0x1;
	[sflag:s2] =	ssyncpa.u1 $0x1  }
0x51: {  	[sflag:s31] =	ssyncpa.u1 $0x1  }
0x52: {  	p0 =	sne.s32 s1, $0x0;
	_ =	strace $0x90000047  }
0x53: {  	s0 =	sadd.s32 @!p0 $0x100000, s0;
	[bflag:$0x2] =	sbarrier.arrive $0xFFFF  }
0x54: {  	[sflag:s0] =	ssyncadd.tile.s32 @!p0 $0x1;
	_ =	shalt  }
.Lfunc_end2:
_tile_overlayer_lowered:
.L_overlay_start_2:
0x55: {  	(tag) =	ssettag $0x2  }
0x56: {  	s0 =	rddreg [dreg:$0x0];
	s2 =	stileid.u32  }
0x57: {  	s1 =	rddreg [dreg:$0x1];
	p0 =	sne.s32 s2, $0x0  }
0x58: {  	s3 =	rddreg [dreg:$0x2];
	[bflag:$0x3] =	sbarrier.arrive $0xFFFF;
	s2 =	simm.s32 @!p0 $0x1C01  }
0x59: {  	[timem:s3], [sflag:s2] =	dma.local @!p0 [hbm:s0], s1  }
0x5a: {  	s0 =	simm.s32 @!p0 $0x1  }
0x5b: {  	_ =	swait.ge @!p0 [sflag:s0], s1  }
0x5c: {  	s1 =	ssub.s32 @!p0 $0x0, s1;
	[sflag:s0] =	ssyncset.done @!p0 $0x0  }
0x5d: {  	[sflag:s0] =	ssyncadd.s32 @!p0 s1  }
0x5e: {  	[bflag:$0x3] =	sbarrier.arrive $0xFFFF  }
0x5f: {  	_ =	shalt  }

// kernel: kernel.3.cloned.1.call-start
scs
__scs_entry_jumppad:
0x0: {  	(pc) =	sbr.rel $0x88, $3  }
0x1: {  	(tag) =	ssettag $0x0;
	lr =	simm.s32 $0x1  }
0x2: {  	[smem:$0x3F9E] =	sst lr;
	_ =	strace $0xD0000000  }
0x3: {  	_ = 	snop  }
0x4: {  	_ = 	snop  }
0x5: {  	_ = 	snop  }
0x6: {  	_ = 	snop  }
0x7: {  	_ = 	snop  }
__scs_overlays_trampoline_lowered:
0x8: {  	[smem:$0x3FAD] =	sst s0  }
0x9: {  	[smem:$0x3FAE] =	sst s1  }
0xa: {  	[smem:$0x3FAF] =	sst s2  }
0xb: {  	[smem:$0x3FB0] =	sst s3  }
0xc: {  	[smem:$0x3FB1] =	sst s4  }
0xd: {  	[smem:$0x3FB2] =	sst s5  }
0xe: {  	[smem:$0x3FB3] =	sst s6  }
0xf: {  	[smem:$0x3FB4] =	sst s7  }
0x10: {  	[smem:$0x3FB5] =	sst s8  }
0x11: {  	[smem:$0x3FB6] =	sst s9;
	s0 =	simm.s32 @!p0 $0x0  }
0x12: {  	s1 =	sld [smem:$0x3F9C];
	s0 =	simm.s32 @p0 $0x1  }
0x13: {  	[smem:$0x3FB7] =	sst s0;
	s0 =	simm.s32 @!p1 $0x0  }
0x14: {  	s2 =	sld [smem:$0x3F9B];
	s0 =	simm.s32 @p1 $0x1  }
0x15: {  	[smem:$0x3FB8] =	sst s0;
	s0 =	simm.s32 @!p2 $0x0  }
0x16: {  	s3 =	sld [smem:$0x3FDB];
	s0 =	simm.s32 @p2 $0x1  }
0x17: {  	s4 =	simm.s32 $0x1BF5;
	[smem:$0x3FBA] =	sst s0  }
0x18: {  	s0 =	sld [smem:$0x3F9D];
	_ =	swait.ge [sflag:s4], $0x0  }
0x19: {  	s7 =	sld [smem:$0x3F9E]  }
0x1a: {  	s8 =	sadd.s32 $0xFFFFE003, lr  }
0x1b: {  	s9 =	sadd.s32 $0xFFFFFEF7, lr;
	s5 =	simm.s32 $0xFFFFFFFF;
	p2 =	slt.u32 s8, $0xFFFFF086  }
0x1c: {  	p1 =	slt.u32 s9, $0xF7A;
	s5 =	simm.s32 @!p2 $0x0  }
0x1d: {  	s5 =	simm.s32 @p1 $0x1;
	p0 =	seq.s32 s7, s2  }
0x1e: {  	s7 =	smul.u32 @!p0 $0xF7A, s2;
	p2 =	seq.s32 @!p0 s5, $0x0  }
0x1f: {  	s9 =	smul.u32 $0xF7A, s1;
	s8 =	simm.s32 @!p0 $0x1BF5;
	p2 =	por !p2, p0  }
0x20: {  	[sflag:s8] =	ssyncset.s32 @!p0 $0xFFFFF086;
	s6 =	sadd.s32 @!p0 s3, s7;
	s7 =	simm.s32 @!p0 $0x108  }
0x21: {  	s3 =	sadd.s32 s3, s9;
	s6 =	sadd.s32 @!p0 $0x88, s6;
	s7 =	simm.s32 @p2 $0x1082  }
0x22: {  	[simem:s7], [sflag:s8] =	dma.local @!p0 [hbm:s6], $0xF7A  }
0x23: {  	s9 =	sor.u32 $0xD0000000, s2;
	s6 =	simm.s32 $0x108;
	_ =	swait.ge @!p0 [sflag:s8], $0x0  }
0x24: {  	s3 =	sadd.s32 $0x88, s3;
	s6 =	simm.s32 @!p1 $0x1082;
	[sflag:s4] =	ssyncset.s32 $0xFFFFF086  }
0x25: {  	[simem:s6], [sflag:s4] =	dma.local [hbm:s3], $0xF7A  }
0x26: {  	[smem:$0x3F9E] =	sst s1;
	(tag) =	ssettag s2;
	_ =	strace s9  }
0x27: {  	s1 =	sld [smem:$0x3FAE]  }
0x28: {  	s2 =	sld [smem:$0x3FAF]  }
0x29: {  	s4 =	sld [smem:$0x3FB1]  }
0x2a: {  	p0 =	seq.s32 s5, $0x0;
	s5 =	sld [smem:$0x3FB2]  }
0x2b: {  	s6 =	sld [smem:$0x3FB3]  }
0x2c: {  	s7 =	sld [smem:$0x3FB4]  }
0x2d: {  	s3 =	simm.s32 $0x108;
	s8 =	sld [smem:$0x3FB5]  }
0x2e: {  	s3 =	simm.s32 @!p0 $0x1082;
	s9 =	sld [smem:$0x3FB6]  }
0x2f: {  	lr =	sadd.s32 s0, s3;
	s0 =	sld [smem:$0x3FAD]  }
0x30: {  	s3 =	sld [smem:$0x3FB0]  }
0x31: {  	[smem:$0x3FB9] =	sst s10  }
0x32: {  	s10 =	sld [smem:$0x3FB7];
	_ =	sdelay $0x3  }
0x33: {  	p0 =	seq.s32 s10, $0x1;
	s10 =	sld [smem:$0x3FB9];
	_ =	sdelay $0x3  }
0x34: {  	[smem:$0x3FB9] =	sst s10  }
0x35: {  	s10 =	sld [smem:$0x3FB8];
	_ =	sdelay $0x3  }
0x36: {  	p1 =	seq.s32 s10, $0x1;
	s10 =	sld [smem:$0x3FB9];
	_ =	sdelay $0x3  }
0x37: {  	[smem:$0x3FB9] =	sst s10  }
0x38: {  	s10 =	sld [smem:$0x3FBA]  }
0x39: {  	_ = 	snop;
	(pc) =	sbr.ind lr, $3  }
0x3a: {  	_ = 	snop  }
0x3b: {  	_ = 	snop  }
0x3c: {  	p2 =	seq.s32 s10, $0x1;
	s10 =	sld [smem:$0x3FB9]  }
0x3d: {  	_ =	shalt  }
0x3e: {  	_ =	shalt  }
0x3f: {  	_ =	shalt  }
0x40: {  	_ =	shalt  }
0x41: {  	_ =	shalt  }
0x42: {  	_ =	shalt  }
0x43: {  	_ =	shalt  }
0x44: {  	_ =	shalt  }
0x45: {  	_ =	shalt  }
0x46: {  	_ =	shalt  }
0x47: {  	_ =	shalt  }
0x48: {  	_ =	shalt  }
0x49: {  	_ =	shalt  }
0x4a: {  	_ =	shalt  }
0x4b: {  	_ =	shalt  }
0x4c: {  	_ =	shalt  }
0x4d: {  	_ =	shalt  }
0x4e: {  	_ =	shalt  }
0x4f: {  	_ =	shalt  }
0x50: {  	_ =	shalt  }
0x51: {  	_ =	shalt  }
0x52: {  	_ =	shalt  }
0x53: {  	_ =	shalt  }
0x54: {  	_ =	shalt  }
0x55: {  	_ =	shalt  }
0x56: {  	_ =	shalt  }
0x57: {  	_ =	shalt  }
0x58: {  	_ =	shalt  }
0x59: {  	_ =	shalt  }
0x5a: {  	_ =	shalt  }
0x5b: {  	_ =	shalt  }
0x5c: {  	_ =	shalt  }
0x5d: {  	_ =	shalt  }
0x5e: {  	_ =	shalt  }
0x5f: {  	_ =	shalt  }
0x60: {  	_ =	shalt  }
0x61: {  	_ =	shalt  }
0x62: {  	_ =	shalt  }
0x63: {  	_ =	shalt  }
0x64: {  	_ =	shalt  }
0x65: {  	_ =	shalt  }
0x66: {  	_ =	shalt  }
0x67: {  	_ =	shalt  }
0x68: {  	_ =	shalt  }
0x69: {  	_ =	shalt  }
0x6a: {  	_ =	shalt  }
0x6b: {  	_ =	shalt  }
0x6c: {  	_ =	shalt  }
0x6d: {  	_ =	shalt  }
0x6e: {  	_ =	shalt  }
0x6f: {  	_ =	shalt  }
0x70: {  	_ =	shalt  }
0x71: {  	_ =	shalt  }
0x72: {  	_ =	shalt  }
0x73: {  	_ =	shalt  }
0x74: {  	_ =	shalt  }
0x75: {  	_ =	shalt  }
0x76: {  	_ =	shalt  }
0x77: {  	_ =	shalt  }
0x78: {  	_ =	shalt  }
0x79: {  	_ =	shalt  }
0x7a: {  	_ =	shalt  }
0x7b: {  	_ =	shalt  }
0x7c: {  	_ =	shalt  }
0x7d: {  	_ =	shalt  }
0x7e: {  	_ =	shalt  }
0x7f: {  	_ =	shalt  }
0x80: {  	_ =	shalt  }
0x81: {  	_ =	shalt  }
0x82: {  	_ =	shalt  }
0x83: {  	_ =	shalt  }
0x84: {  	_ =	shalt  }
0x85: {  	_ =	shalt  }
0x86: {  	_ =	shalt  }
0x87: {  	_ =	shalt  }
.Lfunc_end0:
.L_simem_size_0:
called_computation.1_lowered:
.L_overlay_start_0:
0x88: {  	s2 =	sld [smem:$0x3FD9]  }
0x89: {  	s3 =	sld [smem:$0x3FFE];
	_ =	sdelay $0x1  }
0x8a: {  	s1 =	srdreg.scid  }
0x8b: {  	s0 =	sand.u32 $0x1, s1  }
0x8c: {  	s17 =	sshll.u32 s0, $0xA;
	s2 =	sadd.s32 s3, s2  }
0x8d: {  	s2 =	sadd.s32 s2, s17  }
0x8e: {  	[smem:$0x3FC5] =	sst s2  }
0x8f: {  	_ = 	snop  }
0x90: {  	s2 =	sld [smem:$0x3FC9]  }
0x91: {  	s18 =	sld [smem:$0x3FC7]  }
0x92: {  	s4 =	sld [smem:$0x3FD0];
	(tm) =	ssettm $0x1  }
0x93: {  	s5 =	sld [smem:$0x3FFB];
	_ =	sdelay $0x3  }
0x94: {  	_ =	strace s5  }
0x95: {  	s5 =	sld [smem:$0x3FFC];
	_ =	sdelay $0x3  }
0x96: {  	_ =	strace s5  }
0x97: {  	s5 =	sld [smem:$0x3FFD];
	_ =	sdelay $0x3  }
0x98: {  	_ =	strace s5  }
0x99: {  	_ =	strace $0x8FFFFFFF  }
0x9a: {  	s19 =	sld [smem:$0x3FDB];
	_ =	sdelay $0x1  }
0x9b: {  	s6 =	simm.s32 $_scs_section_size  }
0x9c: {  	s7 =	simm.s32 $_size__tile_overlayer_lowered;
	s8 =	simm.s32 $_tile_overlayer_lowered  }
0x9d: {  	s22 =	simm.s32 $0x1BFF;
	s21 =	sshll.u32 s8, $0x1;
	s5 =	sadd.s32 s6, s19  }
0x9e: {  	s9 =	simm.s32 $0x0;
	s20 =	sshll.u32 s7, $0x1;
	s7 =	sadd.s32 s21, s5  }
0x9f: {  	[timem:s9], [sflag:s22] =	dma.local [hbm:s7], s20  }
0xa0: {  	_ =	swait.ge [sflag:s22], s20  }
0xa1: {  	s6 =	ssub.s32 $0x0, s20;
	[sflag:s22] =	ssyncset.done $0x0  }
0xa2: {  	[sflag:s22] =	ssyncadd.s32 s6;
	_ =	sdelay $0x1  }
0xa3: {  	s23 =	simm.s32 $0x1B8B  }
0xa4: {  	_ =	swait.ge [sflag:s23], $0x1  }
0xa5: {  	[sflag:s23] =	ssyncset.done $0x0  }
0xa6: {  	s25 =	simm.s32 $0x1B8E;
	s24 =	sld [smem:$0x3FFE];
	[sflag:s23] =	ssyncadd.s32 $0xFFFFFFFF  }
0xa7: {  	s26 =	simm.s32 $execute0_lowered;
	[smem:$0x3FD2] =	sst s25  }
0xa8: {  	s7 =	sshll.u32 s26, $0x1;
	_ =	strace $0x80000049;
	[dreg:$0x1] =	wrdreg $0xFFFFFFFF  }
0xa9: {  	s28 =	simm.s32 $_size_execute0_lowered;
	s5 =	sadd.s32 s5, s7;
	[dreg:$0x0] =	wrdreg $0x0  }
0xaa: {  	s7 =	sshll.u32 s28, $0x1;
	[dreg:$0x2] =	wrdreg s5  }
0xab: {  	[dreg:$0x3] =	wrdreg s7  }
0xac: {  	[dreg:$0x4] =	wrdreg $0xC0  }
0xad: {  	_ =	task [dreg:s9], $0x5FFFF  }
0xae: {  	[dreg:$0x1] =	wrdreg $0xFFFFFFFF  }
0xaf: {  	[dreg:$0x0] =	wrdreg $0x60  }
0xb0: {  	[dreg:$0x2] =	wrdreg s2  }
0xb1: {  	[dreg:$0x3] =	wrdreg s24  }
0xb2: {  	[dreg:$0x4] =	wrdreg s18  }
0xb3: {  	[dreg:$0x5] =	wrdreg s4  }
0xb4: {  	[dreg:$0x6] =	wrdreg $0x9  }
0xb5: {  	_ =	task.clear_ibuf [dreg:s9], $0x7FFFF;
	_ =	strace $0x90000049  }
0xb6: {  	s29 =	simm.s32 $0x9;
	_ =	strace $0x8000004B  }
0xb7: {  	_ =	swait.ge [sflag:s29], $0x1  }
0xb8: {  	[sflag:s29] =	ssyncadd.s32 $0xFFFFFFFF  }
0xb9: {  	_ =	strace $0x9000004B  }
0xba: {  	_ =	sfence  }
0xbb: {  	s30 =	sld [smem:$0x0];
	_ =	sdelay $0x2  }
0xbc: {  	s31 =	sshll.u32 s1, $0xD;
	s1 =	sshrl.u32 s1, $0x2  }
0xbd: {  	s3 =	sand.u32 $0x4000, s31;
	s1 =	sadd.s32 s1, s30  }
0xbe: {  	s0 =	sor.u32 s3, s0;
	s1 =	sshll.u32 s1, $0x11  }
0xbf: {  	s0 =	sor.u32 s1, s0  }
0xc0: {  	s0 =	sadd.s32 $0x8F2B, s0  }
0xc1: {  	[sflag:s0] =	ssyncadd.remote.s32 $0x1  }
0xc2: {  	_ =	sfence.sel $0xFFFF  }
0xc3: {  	[dreg:$0x0] =	wrdreg $0xFFFFFFFF;
	(pc) =	sbr.abs _section_cstart, $3  }
0xc4: {  	[dreg:$0x1] =	wrdreg $0xFFFFFFFF  }
0xc5: {  	_ =	task.clear_ibuf [dreg:s9], $0x2FFFF;
	_ =	strace $0x9FFFFFFF  }
0xc6: {  	(tm) =	ssettm $0x7FFFFFFF  }
0xc7: {  	_ =	shalt  }
tec
execute0_lowered:
.L_overlay_start_1:
0x0: {  	(tag) =	ssettag $0x1  }
0x1: {  	s0 =	rddreg [dreg:$0x0]  }
0x2: {  	s1 =	srdreg.scid;
	s6 =	rddreg [dreg:$0x1]  }
0x3: {  	s2 =	stileid.u32;
	s7 =	rddreg [dreg:$0x3];
	s25 =	simm.s32 $0x0  }
0x4: {  	s1 =	sand.u32 $0x1, s1;
	s3 =	sshll.u32 s2, $0x8;
	[smem:$0x7FF] =	sst s25  }
0x5: {  	s12 =	sadd.s32 $0x10C00, s6;
	s6 =	sadd.s32 $0x500C00, s6;
	s31 =	sshll.u32 s2, $0x6  }
0x6: {  	s4 =	sshll.u32 s1, $0x7;
	_ =	strace $0x8000004A;
	s1 =	ssub.s32 $0x2, s1  }
0x7: {  	[dreg:$0x5] =	wrdreg s12;
	s3 =	sor.u32 s4, s3;
	s10 =	sshrl.u32 s1, $0x1  }
0x8: {  	[dreg:$0x6] =	wrdreg s6;
	s8 =	sshrl.u32 s3, $0x3;
	s1 =	ssub.s32 s1, s10  }
0x9: {  	s26 =	sshll.u32 s3, $0x4;
	s9 =	smul.u32 $0x13C00, s8;
	s0 =	sadd.s32 s0, s8  }
.Ltmp0:
0xa: {  	s28 =	sadd.s32 s7, s26;
	[dreg:$0x7] =	wrdreg s0;
	(pc) =	sbr.rel .LBB2_1-.Ltmp0, $4  }
0xb: {  	s30 =	smax.u32 s1, $0x1;
	[dreg:$0x8] =	wrdreg s28;
	s9 =	sshrl.u32 s9, $0x3  }
0xc: {  	v0 =	vlaneseq.u32;
	[dreg:$0xa] =	wrdreg s30;
	s0 =	sor.u32 $0x1C0E, s31;
	s9 =	sadd.s32 s6, s9  }
0xd: {  	vm0 =	vmmov $0xff;
	v1 =	vshrl.u32 v0, $0x3;
	[dreg:$0xb] =	wrdreg s0;
	s29 =	sadd.s32 $0x2700, s9  }
0xe: {  	s11 =	simm.s32 $0x0;
	vm1 =	vmmov $0xffff;
	v0 =	vand.u32 $0x7, v0;
	s2 =	simm.s32 $0x0;
	v1 =	vmul.u32 $0x8, v1;
	[dreg:$0x9] =	wrdreg s29  }
.LBB2_21:
0xf: {  	s0 =	simm.s32 $0xA  }
0x10: {  	_ =	swait.ge [sflag:s0], $0x3400  }
0x11: {  	[sflag:s0] =	ssyncset.done $0x0  }
0x12: {  	s29 =	simm.s32 $0xB;
	[sflag:s0] =	ssyncadd.s32 $0xFFFFCC00  }
0x13: {  	_ =	swait.ge [sflag:s29], $0x3400  }
0x14: {  	[sflag:s29] =	ssyncset.done $0x0  }
0x15: {  	s30 =	simm.s32 $0xC;
	[sflag:s29] =	ssyncadd.s32 $0xFFFFCC00  }
0x16: {  	_ =	swait.ge [sflag:s30], $0x3400  }
0x17: {  	[sflag:s30] =	ssyncset.done $0x0  }
0x18: {  	s1 =	simm.s32 $0xD;
	[sflag:s30] =	ssyncadd.s32 $0xFFFFCC00  }
0x19: {  	_ =	swait.ge [sflag:s1], $0x3400  }
0x1a: {  	s2 =	rddreg [dreg:$0xc]  }
0x1b: {  	s31 =	rddreg [dreg:$0xa];
	s2 =	sadd.s32 $0x1, s2  }
0x1c: {  	p0 =	sne.s32 s2, s31  }
.Ltmp1:
0x1d: {  	_ = 	snop;
	(pc) =	sbr.rel @!p0 .LBB2_22-.Ltmp1, $3  }
0x1e: {  	_ =	sdelay $0x1  }
0x1f: {  	[sflag:s1] =	ssyncset.done $0x0  }
0x20: {  	[sflag:s1] =	ssyncadd.s32 $0xFFFFCC00  }
.LBB2_1:
0x21: {  	[dreg:$0xc] =	wrdreg s2  }
0x22: {  	s0 =	rddreg [dreg:$0x7];
	s30 =	simm.s32 $0xE  }
0x23: {  	[tilespmem:s11], [sflag:$0xE] =	stream.linear.gather [hbm4b:s0+s11], $0x80, $0x38;
	[tilespmem:$0x1D480] =	vst v63  }
0x24: {  	_ =	swait.ge [sflag:s30], $0x80  }
0x25: {  	s5 =	simm.s32 $0x8;
	s7 =	simm.s32 $0x2780;
	s31 =	rddreg [dreg:$0x8]  }
0x26: {  	s8 =	simm.s32 $0x80;
	[sflag:s30] =	ssyncset.done $0x0;
	s1 =	rddreg [dreg:$0x9]  }
.Ltmp2:
0x27: {  	s4 =	rddreg [dreg:$0xb];
	[sflag:s30] =	ssyncadd.s32 $0xFFFFFF80;
	(pc) =	sbr.rel .LBB2_2-.Ltmp2, $4  }
0x28: {  	[hbm:s1@s7], [sflag:s4] =	dma.strided [hbm:s31@s8], $0x800, s5, $0x10   }
0x29: {  	_ =	swait.ge [sflag:s30], $0x800  }
0x2a: {  	[sflag:s30] =	ssyncset.done $0x0  }
0x2b: {  	s21 =	simm.s32 $0x0;
	[sflag:s30] =	ssyncadd.s32 $0xFFFFF800  }
.LBB2_20:
0x2c: {  	p0 =	slt.u32 s21, $0x5  }
0x2d: {  	s0 =	sadd.s32 @!p0 $0xFFFFFFFB, s21  }
0x2e: {  	s1 =	sshll.u32 @!p0 s0, $0x3  }
0x2f: {  	s1 =	sand.u32 @!p0 $0x78, s1  }
0x30: {  	s2 =	sand.u32 @!p0 $0x3, s0;
	s0 =	sshrl.u32 @!p0 s0, $0x4;
	s1 =	sor.u32 @!p0 s3, s1  }
0x31: {  	s4 =	sadd.s32 @!p0 $0x6, s2;
	s0 =	smul.u32 @!p0 $0x3400, s0;
	s1 =	sshrl.u32 @!p0 s1, $0x3  }
0x32: {  	_ =	swait.ge @!p0 [sflag:s4], $0x3400;
	s1 =	smul.u32 @!p0 $0x13C00, s1  }
0x33: {  	s5 =	smul.u32 @!p0 $0xD000, s2;
	[sflag:s4] =	ssyncset.done @!p0 $0x0  }
0x34: {  	s21 =	sadd.s32 $0x1, s21;
	[sflag:s4] =	ssyncadd.s32 @!p0 $0xFFFFCC00;
	s0 =	sadd.s32 @!p0 s0, s1  }
0x35: {  	s1 =	sadd.s32 @!p0 $0xA, s2;
	s2 =	sshrl.u32 @!p0 s5, $0x2;
	s0 =	sshrl.u32 @!p0 s0, $0x3  }
0x36: {  	s4 =	simm.s32 @!p0 $0x0;
	s2 =	sadd.s32 @!p0 $0x10480, s2;
	s0 =	sadd.s32 @!p0 s6, s0  }
0x37: {  	[hbm4b:s0+s4] =	stream.linear.scatter @!p0 [tilespmem:s2], [sflag:s1], $0x3400, $0x38;
	[tilespmem:$0x1D480] =	vst v63  }
0x38: {  	p0 =	sne.s32 s21, $0x65  }
.Ltmp3:
0x39: {  	_ = 	snop;
	(pc) =	sbr.rel @!p0 .LBB2_21-.Ltmp3, $1  }
0x3a: {  	_ =	sdelay $0x3  }
.LBB2_2:
0x3b: {  	p0 =	sgt.u32 s21, $0x5F  }
0x3c: {  	s0 =	smul.u32 @!p0 $0xCD, s21;
	_ =	sdelay $0x1  }
0x3d: {  	s0 =	sshrl.u32 @!p0 s0, $0xA  }
0x3e: {  	s1 =	sshll.u32 @!p0 s21, $0x3;
	s0 =	sand.u32 @!p0 $0x3F, s0  }
0x3f: {  	s1 =	sand.u32 @!p0 $0x78, s1;
	s0 =	smul.u32 @!p0 $0x5, s0  }
0x40: {  	s7 =	sshrl.u32 @!p0 s21, $0x4;
	s1 =	sor.u32 @!p0 s3, s1  }
0x41: {  	s7 =	smul.u32 @!p0 $0x3400, s7;
	s1 =	sshrl.u32 @!p0 s1, $0x3;
	s0 =	ssub.s32 @!p0 s21, s0  }
0x42: {  	s1 =	smul.u32 @!p0 $0x13C00, s1;
	s0 =	sand.u32 @!p0 $0xFF, s0  }
0x43: {  	s8 =	smul.u32 @!p0 $0xD000, s0  }
0x44: {  	s22 =	sadd.s32 $0xFFFFFFFD, s21;
	s1 =	sadd.s32 @!p0 s7, s1  }
0x45: {  	s1 =	sshrl.u32 @!p0 s1, $0x3;
	s0 =	sadd.s32 @!p0 $0x1, s0;
	s7 =	sshrl.u32 @!p0 s8, $0x2  }
0x46: {  	s1 =	sadd.s32 @!p0 s12, s1;
	s8 =	simm.s32 @!p0 $0x0;
	s7 =	sor.u32 @!p0 $0x80, s7  }
0x47: {  	[tilespmem:s7], [sflag:s0] =	stream.linear.gather @!p0 [hbm4b:s1+s8], $0x3400, $0x38;
	[tilespmem:$0x1D480] =	vst v63  }
0x48: {  	p0 =	sgt.u32 s22, $0x5F  }
.Ltmp4:
0x49: {  	_ = 	snop;
	(pc) =	sbr.rel @p0 .LBB2_20-.Ltmp4, $1  }
0x4a: {  	_ =	sdelay $0x3  }
0x4b: {  	s0 =	smul.u32 $0xCD, s22;
	_ =	sdelay $0x1  }
0x4c: {  	s0 =	sshrl.u32 s0, $0xA  }
0x4d: {  	s0 =	sand.u32 $0x3F, s0  }
0x4e: {  	p0 =	slt.u32 s21, $0x7;
	s0 =	smul.u32 $0x5, s0  }
0x4f: {  	s1 =	sadd.s32 @!p0 $0x1, s21  }
0x50: {  	s1 =	sand.u32 @!p0 $0x3, s1;
	s0 =	ssub.s32 s22, s0  }
0x51: {  	s1 =	sadd.s32 @!p0 $0xA, s1;
	s0 =	sand.u32 $0xFF, s0  }
0x52: {  	_ =	swait.ge @!p0 [sflag:s1], $0x3400;
	s7 =	sadd.s32 $0x1, s0;
	s0 =	smul.u32 $0xD000, s0  }
0x53: {  	s25 =	simm.s32 $0x0;
	s8 =	simm.s32 $0x0;
	[sflag:s1] =	ssyncset.done @!p0 $0x0  }
0x54: {  	s29 =	sand.u32 $0x40, s8;
	[sflag:s1] =	ssyncadd.s32 @!p0 $0xFFFFCC00;
	s0 =	sshrl.u32 s0, $0x2  }
0x55: {  	s31 =	sand.u32 $0x3C00, s25;
	_ =	swait.ge [sflag:s7], $0x3400;
	s26 =	sor.u32 $0x80, s0  }
0x56: {  	s1 =	sor.u32 $0x30, s29;
	[sflag:s7] =	ssyncset.done $0x0;
	s28 =	sadd.s32 s31, s26  }
0x57: {  	[sflag:s7] =	ssyncadd.s32 $0xFFFFCC00;
	s0 =	sor.u32 $0x10, s29;
	s13 =	sadd.s32 s1, s28  }
0x58: {  	s2 =	sand.u32 $0x3, s22;
	s30 =	sor.u32 $0x20, s29;
	s14 =	sadd.s32 s0, s28;
	v2 =	vld [tilespmem:s13+$0x0]  }
0x59: {  	s15 =	sadd.s32 s30, s28;
	v3 =	vld [tilespmem:s14+$0x0];
	[dreg:$0xd] =	wrdreg s2  }
0x5a: {  	s9 =	simm.s32 $0x40;
	s11 =	smul.u32 $0xD000, s2;
	s7 =	sadd.s32 s29, s28;
	v4 =	vld [tilespmem:s15+$0x0]  }
0x5b: {  	s10 =	simm.s32 $0x200;
	s4 =	sshrl.u32 s22, $0x4;
	s8 =	sand.u32 $0x40, s9;
	v5 =	vld [tilespmem:s7+$0x0]  }
0x5c: {  	s18 =	sand.u32 $0x3C00, s10;
	s12 =	sor.u32 $0x30, s8;
	s23 =	sshrl.u32 s11, $0x2  }
0x5d: {  	s16 =	sor.u32 $0x10, s8;
	s25 =	sadd.s32 $0x10480, s23;
	s2 =	sadd.s32 s18, s26  }
0x5e: {  	s17 =	sor.u32 $0x20, s8;
	s6 =	sadd.s32 s31, s25;
	s19 =	sadd.s32 s12, s2;
	v2 =	vshll.u32 v2, $0x17  }
0x5f: {  	s20 =	sadd.s32 s1, s6;
	s5 =	sadd.s32 s16, s2;
	v3 =	vshll.u32 v3, $0x17;
	v6 =	vsub.s32 $0x0, v2;
	v2 =	vld [tilespmem:s19+$0x0];
	[dreg:$0xe] =	wrdreg s4  }
0x60: {  	s28 =	sadd.s32 s0, s6;
	s24 =	sadd.s32 s17, s2;
	v7 =	vsub.s32 $0x0, v3;
	v8 =	vshll.u32 v4, $0x17;
	v5 =	vshll.u32 v5, $0x17;
	[tilespmem:s20+$0x0] =	vst v6;
	v4 =	vld [tilespmem:s5+$0x0]  }
0x61: {  	s11 =	sadd.s32 s29, s6;
	s19 =	sadd.s32 s8, s2;
	v3 =	vld [tilespmem:s24+$0x0];
	v6 =	vsub.s32 $0x0, v8;
	[tilespmem:s28+$0x0] =	vst v7;
	s20 =	sadd.s32 s30, s6;
	v5 =	vsub.s32 $0x0, v5  }
.LBB2_4:
0x62: {  	s9 =	sadd.s32 $0x40, s9;
	s10 =	sadd.s32 $0x200, s10;
	s2 =	smov.u32 s12  }
0x63: {  	v7 =	vld [tilespmem:s19+$0x0];
	[tilespmem:s20+$0x0] =	vst v6;
	s5 =	smov.u32 s16;
	s20 =	smov.u32 s17;
	s18 =	sadd.s32 s18, s25  }
0x64: {  	s6 =	sand.u32 $0x40, s9;
	s28 =	sand.u32 $0x3C00, s10;
	p0 =	slt.u32 s9, $0x640;
	[tilespmem:s11+$0x0] =	vst v5  }
.Ltmp5:
0x65: {  	s11 =	sadd.s32 s28, s26;
	s12 =	sor.u32 $0x30, s6;
	v2 =	vshll.u32 v2, $0x17;
	(pc) =	sbr.rel @p0 .LBB2_4-.Ltmp5, $4  }
0x66: {  	s2 =	sadd.s32 s2, s18;
	s16 =	sor.u32 $0x10, s6;
	s4 =	sadd.s32 s12, s11;
	v4 =	vshll.u32 v4, $0x17;
	v5 =	vsub.s32 $0x0, v2  }
0x67: {  	s17 =	sor.u32 $0x20, s6;
	s19 =	sadd.s32 s6, s11;
	s24 =	sadd.s32 s16, s11;
	v2 =	vld [tilespmem:s4+$0x0];
	v8 =	vsub.s32 $0x0, v4;
	v3 =	vshll.u32 v3, $0x17;
	[tilespmem:s2+$0x0] =	vst v5  }
0x68: {  	s20 =	sadd.s32 s20, s18;
	s2 =	sadd.s32 s17, s11;
	s4 =	sadd.s32 s5, s18;
	v4 =	vld [tilespmem:s24+$0x0];
	v5 =	vshll.u32 v7, $0x17;
	v6 =	vsub.s32 $0x0, v3  }
0x69: {  	s11 =	sadd.s32 s8, s18;
	s8 =	smov.u32 s6;
	s18 =	smov.u32 s28;
	v3 =	vld [tilespmem:s2+$0x0];
	v5 =	vsub.s32 $0x0, v5;
	[tilespmem:s4+$0x0] =	vst v8  }
0x6a: {  	v7 =	vld [tilespmem:s19+$0x0];
	_ =	sdelay $0x1  }
0x6b: {  	[tilespmem:s20+$0x0] =	vst v6;
	s2 =	sadd.s32 s18, s25;
	v2 =	vshll.u32 v2, $0x17  }
0x6c: {  	[tilespmem:s11+$0x0] =	vst v5;
	s4 =	sadd.s32 s12, s2;
	v4 =	vshll.u32 v4, $0x17;
	v2 =	vsub.s32 $0x0, v2  }
0x6d: {  	s12 =	sadd.s32 s16, s2;
	v4 =	vsub.s32 $0x0, v4;
	v3 =	vshll.u32 v3, $0x17;
	[tilespmem:s4+$0x0] =	vst v2  }
0x6e: {  	s5 =	sadd.s32 s17, s2;
	v2 =	vshll.u32 v7, $0x17;
	v3 =	vsub.s32 $0x0, v3;
	[tilespmem:s12+$0x0] =	vst v4  }
0x6f: {  	s2 =	sadd.s32 s8, s2;
	v2 =	vsub.s32 $0x0, v2;
	[tilespmem:s5+$0x0] =	vst v3  }
0x70: {  	[tilespmem:s2+$0x0] =	vst v2  }
0x71: {  	v2 =	vld [tilespmem:s7+$0x80]  }
0x72: {  	v3 =	vld [tilespmem:s13+$0x80]  }
0x73: {  	s16 =	sadd.s32 s31, s25;
	v4 =	vld [tilespmem:s14+$0x80]  }
0x74: {  	s18 =	sadd.s32 s1, s16;
	v5 =	vld [tilespmem:s15+$0x80]  }
0x75: {  	s1 =	simm.s32 $0x200;
	s6 =	sadd.s32 s0, s16;
	s0 =	simm.s32 $0x40  }
0x76: {  	s19 =	sand.u32 $0x3C00, s1;
	s20 =	sand.u32 $0x40, s0;
	v2 =	vshll.u32 v2, $0x17  }
0x77: {  	s17 =	sadd.s32 s29, s16;
	s9 =	sadd.s32 s19, s26;
	s24 =	sor.u32 $0x10, s20;
	v3 =	vshll.u32 v3, $0x17;
	v2 =	vsub.s32 $0x0, v2  }
0x78: {  	s28 =	sor.u32 $0x30, s20;
	s29 =	sor.u32 $0x20, s20;
	s10 =	sadd.s32 s20, s9;
	v4 =	vshll.u32 v4, $0x17;
	v3 =	vsub.s32 $0x0, v3;
	[tilespmem:s17+$0x80] =	vst v2  }
0x79: {  	s2 =	sadd.s32 s30, s16;
	s30 =	sadd.s32 s28, s9;
	s7 =	sadd.s32 s19, s25;
	v5 =	vshll.u32 v5, $0x17;
	v4 =	vsub.s32 $0x0, v4;
	v2 =	vld [tilespmem:s10+$0x80];
	[tilespmem:s18+$0x80] =	vst v3  }
0x7a: {  	s31 =	sadd.s32 s24, s9;
	s12 =	sadd.s32 s29, s9;
	s9 =	sadd.s32 s28, s7;
	v5 =	vsub.s32 $0x0, v5;
	v3 =	vld [tilespmem:s30+$0x80];
	[tilespmem:s6+$0x80] =	vst v4  }
0x7b: {  	s8 =	sadd.s32 s24, s7;
	s10 =	sadd.s32 s20, s7;
	s7 =	sadd.s32 s29, s7;
	v4 =	vld [tilespmem:s31+$0x80];
	[tilespmem:s2+$0x80] =	vst v5  }
.LBB2_6:
0x7c: {  	s0 =	sadd.s32 $0x40, s0;
	v5 =	vld [tilespmem:s12+$0x80];
	s1 =	sadd.s32 $0x200, s1  }
0x7d: {  	s2 =	sand.u32 $0x40, s0;
	s4 =	sand.u32 $0x3C00, s1;
	p0 =	slt.u32 s0, $0x640  }
0x7e: {  	s5 =	sor.u32 $0x10, s2;
	s6 =	sor.u32 $0x20, s2;
	s11 =	sor.u32 $0x30, s2;
	v2 =	vshll.u32 v2, $0x17  }
.Ltmp6:
0x7f: {  	s13 =	sadd.s32 s4, s26;
	s4 =	sadd.s32 s4, s25;
	v2 =	vsub.s32 $0x0, v2;
	v3 =	vshll.u32 v3, $0x17;
	(pc) =	sbr.rel @p0 .LBB2_6-.Ltmp6, $4  }
0x80: {  	s14 =	sadd.s32 s2, s13;
	s15 =	sadd.s32 s5, s13;
	s12 =	sadd.s32 s6, s13;
	[tilespmem:s10+$0x80] =	vst v2;
	v4 =	vshll.u32 v4, $0x17;
	v3 =	vsub.s32 $0x0, v3  }
0x81: {  	s10 =	sadd.s32 s2, s4;
	s2 =	sadd.s32 s11, s13;
	v2 =	vld [tilespmem:s14+$0x80];
	v4 =	vsub.s32 $0x0, v4;
	v5 =	vshll.u32 v5, $0x17;
	[tilespmem:s9+$0x80] =	vst v3;
	s9 =	sadd.s32 s11, s4  }
0x82: {  	s6 =	sadd.s32 s6, s4;
	v3 =	vld [tilespmem:s2+$0x80];
	[tilespmem:s8+$0x80] =	vst v4;
	s8 =	sadd.s32 s5, s4;
	v5 =	vsub.s32 $0x0, v5  }
0x83: {  	v4 =	vld [tilespmem:s15+$0x80];
	[tilespmem:s7+$0x80] =	vst v5;
	s7 =	smov.u32 s6  }
0x84: {  	v5 =	vld [tilespmem:s12+$0x80];
	_ =	sdelay $0x1  }
0x85: {  	v2 =	vshll.u32 v2, $0x17  }
0x86: {  	v2 =	vsub.s32 $0x0, v2;
	v3 =	vshll.u32 v3, $0x17  }
0x87: {  	s1 =	simm.s32 $0x0;
	s0 =	simm.s32 $0x0;
	[tilespmem:s10+$0x80] =	vst v2;
	v2 =	vshll.u32 v4, $0x17;
	v3 =	vsub.s32 $0x0, v3  }
0x88: {  	s0 =	sand.u32 $0x40, s0;
	s1 =	sand.u32 $0x3C00, s1;
	v2 =	vsub.s32 $0x0, v2;
	v4 =	vshll.u32 v5, $0x17;
	[tilespmem:s9+$0x80] =	vst v3  }
0x89: {  	s2 =	sadd.s32 s1, s26;
	s30 =	sor.u32 $0x30, s0;
	[tilespmem:s8+$0x80] =	vst v2;
	v2 =	vsub.s32 $0x0, v4  }
0x8a: {  	s31 =	sor.u32 $0x10, s0;
	s13 =	sadd.s32 s30, s2;
	[tilespmem:s7+$0x80] =	vst v2  }
0x8b: {  	s29 =	sor.u32 $0x20, s0;
	s14 =	sadd.s32 s31, s2;
	v2 =	vld [tilespmem:s13+$0x100]  }
0x8c: {  	s15 =	sadd.s32 s29, s2;
	v3 =	vld [tilespmem:s14+$0x100]  }
0x8d: {  	s7 =	sadd.s32 s0, s2;
	v4 =	vld [tilespmem:s15+$0x100]  }
0x8e: {  	s10 =	simm.s32 $0x200;
	s9 =	simm.s32 $0x40;
	v5 =	vld [tilespmem:s7+$0x100]  }
0x8f: {  	s18 =	sand.u32 $0x3C00, s10;
	s8 =	sand.u32 $0x40, s9  }
0x90: {  	s20 =	sadd.s32 s18, s26;
	s12 =	sor.u32 $0x30, s8  }
0x91: {  	s4 =	sadd.s32 s1, s25;
	s16 =	sor.u32 $0x10, s8;
	s5 =	sadd.s32 s12, s20;
	v2 =	vshll.u32 v2, $0x17  }
0x92: {  	s6 =	sadd.s32 s30, s4;
	s17 =	sor.u32 $0x20, s8;
	s11 =	sadd.s32 s16, s20;
	v3 =	vshll.u32 v3, $0x17;
	v6 =	vsub.s32 $0x0, v2;
	v2 =	vld [tilespmem:s5+$0x100]  }
0x93: {  	s28 =	sadd.s32 s31, s4;
	s24 =	sadd.s32 s17, s20;
	v4 =	vshll.u32 v4, $0x17;
	v5 =	vshll.u32 v5, $0x17;
	v7 =	vsub.s32 $0x0, v3;
	v3 =	vld [tilespmem:s11+$0x100];
	[tilespmem:s6+$0x100] =	vst v6  }
0x94: {  	s19 =	sadd.s32 s8, s20;
	s20 =	sadd.s32 s29, s4;
	v5 =	vsub.s32 $0x0, v5;
	s11 =	sadd.s32 s0, s4;
	v6 =	vsub.s32 $0x0, v4;
	v4 =	vld [tilespmem:s24+$0x100];
	[tilespmem:s28+$0x100] =	vst v7  }
.LBB2_8:
0x95: {  	s9 =	sadd.s32 $0x40, s9;
	s10 =	sadd.s32 $0x200, s10;
	s2 =	smov.u32 s12  }
0x96: {  	v7 =	vld [tilespmem:s19+$0x100];
	[tilespmem:s20+$0x100] =	vst v6;
	s4 =	smov.u32 s16;
	s5 =	smov.u32 s17;
	s18 =	sadd.s32 s18, s25  }
0x97: {  	s6 =	sand.u32 $0x40, s9;
	s24 =	sand.u32 $0x3C00, s10;
	p0 =	slt.u32 s9, $0x640;
	[tilespmem:s11+$0x100] =	vst v5  }
.Ltmp7:
0x98: {  	s11 =	sadd.s32 s24, s26;
	s12 =	sor.u32 $0x30, s6;
	v2 =	vshll.u32 v2, $0x17;
	(pc) =	sbr.rel @p0 .LBB2_8-.Ltmp7, $4  }
0x99: {  	s2 =	sadd.s32 s2, s18;
	s16 =	sor.u32 $0x10, s6;
	s20 =	sadd.s32 s12, s11;
	v3 =	vshll.u32 v3, $0x17;
	v5 =	vsub.s32 $0x0, v2  }
0x9a: {  	s17 =	sor.u32 $0x20, s6;
	s19 =	sadd.s32 s6, s11;
	s28 =	sadd.s32 s16, s11;
	v2 =	vld [tilespmem:s20+$0x100];
	v8 =	vsub.s32 $0x0, v3;
	v4 =	vshll.u32 v4, $0x17;
	[tilespmem:s2+$0x100] =	vst v5  }
0x9b: {  	s4 =	sadd.s32 s4, s18;
	s2 =	sadd.s32 s17, s11;
	s20 =	sadd.s32 s5, s18;
	v3 =	vld [tilespmem:s28+$0x100];
	v5 =	vshll.u32 v7, $0x17;
	v6 =	vsub.s32 $0x0, v4  }
0x9c: {  	s11 =	sadd.s32 s8, s18;
	s8 =	smov.u32 s6;
	s18 =	smov.u32 s24;
	v4 =	vld [tilespmem:s2+$0x100];
	v5 =	vsub.s32 $0x0, v5;
	[tilespmem:s4+$0x100] =	vst v8  }
0x9d: {  	v7 =	vld [tilespmem:s19+$0x100];
	_ =	sdelay $0x1  }
0x9e: {  	[tilespmem:s20+$0x100] =	vst v6;
	s2 =	sadd.s32 s18, s25;
	v2 =	vshll.u32 v2, $0x17  }
0x9f: {  	[tilespmem:s11+$0x100] =	vst v5;
	s4 =	sadd.s32 s12, s2;
	v3 =	vshll.u32 v3, $0x17;
	v2 =	vsub.s32 $0x0, v2  }
0xa0: {  	s12 =	sadd.s32 s16, s2;
	v3 =	vsub.s32 $0x0, v3;
	v4 =	vshll.u32 v4, $0x17;
	[tilespmem:s4+$0x100] =	vst v2  }
0xa1: {  	s5 =	sadd.s32 s17, s2;
	v2 =	vshll.u32 v7, $0x17;
	v4 =	vsub.s32 $0x0, v4;
	[tilespmem:s12+$0x100] =	vst v3  }
0xa2: {  	s2 =	sadd.s32 s8, s2;
	v2 =	vsub.s32 $0x0, v2;
	[tilespmem:s5+$0x100] =	vst v4  }
0xa3: {  	[tilespmem:s2+$0x100] =	vst v2  }
0xa4: {  	v2 =	vld [tilespmem:s7+$0x180]  }
0xa5: {  	v3 =	vld [tilespmem:s13+$0x180]  }
0xa6: {  	v4 =	vld [tilespmem:s14+$0x180]  }
0xa7: {  	s16 =	sadd.s32 s1, s25;
	v5 =	vld [tilespmem:s15+$0x180]  }
0xa8: {  	s1 =	simm.s32 $0x40;
	s17 =	sadd.s32 s0, s16;
	s0 =	simm.s32 $0x200  }
0xa9: {  	s18 =	sadd.s32 s30, s16;
	s20 =	sand.u32 $0x40, s1;
	s19 =	sand.u32 $0x3C00, s0;
	v2 =	vshll.u32 v2, $0x17  }
0xaa: {  	s6 =	sadd.s32 s31, s16;
	s28 =	sor.u32 $0x30, s20;
	s9 =	sadd.s32 s19, s26;
	v3 =	vshll.u32 v3, $0x17;
	v2 =	vsub.s32 $0x0, v2  }
0xab: {  	s24 =	sor.u32 $0x10, s20;
	s10 =	sadd.s32 s20, s9;
	s30 =	sadd.s32 s28, s9;
	v4 =	vshll.u32 v4, $0x17;
	v3 =	vsub.s32 $0x0, v3;
	[tilespmem:s17+$0x180] =	vst v2  }
0xac: {  	s2 =	sadd.s32 s29, s16;
	s29 =	sor.u32 $0x20, s20;
	s7 =	sadd.s32 s19, s25;
	v5 =	vshll.u32 v5, $0x17;
	v4 =	vsub.s32 $0x0, v4;
	v2 =	vld [tilespmem:s10+$0x180];
	[tilespmem:s18+$0x180] =	vst v3  }
0xad: {  	s31 =	sadd.s32 s24, s9;
	s12 =	sadd.s32 s29, s9;
	s9 =	sadd.s32 s28, s7;
	v5 =	vsub.s32 $0x0, v5;
	v3 =	vld [tilespmem:s30+$0x180];
	[tilespmem:s6+$0x180] =	vst v4  }
0xae: {  	s8 =	sadd.s32 s24, s7;
	s10 =	sadd.s32 s20, s7;
	s7 =	sadd.s32 s29, s7;
	v4 =	vld [tilespmem:s31+$0x180];
	[tilespmem:s2+$0x180] =	vst v5  }
.LBB2_10:
0xaf: {  	s1 =	sadd.s32 $0x40, s1;
	v5 =	vld [tilespmem:s12+$0x180];
	s0 =	sadd.s32 $0x200, s0  }
0xb0: {  	s2 =	sand.u32 $0x40, s1;
	s4 =	sand.u32 $0x3C00, s0;
	p0 =	slt.u32 s1, $0x640  }
0xb1: {  	s5 =	sor.u32 $0x10, s2;
	s6 =	sor.u32 $0x20, s2;
	s11 =	sor.u32 $0x30, s2;
	v2 =	vshll.u32 v2, $0x17  }
.Ltmp8:
0xb2: {  	s13 =	sadd.s32 s4, s26;
	s4 =	sadd.s32 s4, s25;
	v2 =	vsub.s32 $0x0, v2;
	v3 =	vshll.u32 v3, $0x17;
	(pc) =	sbr.rel @p0 .LBB2_10-.Ltmp8, $4  }
0xb3: {  	s14 =	sadd.s32 s2, s13;
	s15 =	sadd.s32 s5, s13;
	s12 =	sadd.s32 s6, s13;
	[tilespmem:s10+$0x180] =	vst v2;
	v4 =	vshll.u32 v4, $0x17;
	v3 =	vsub.s32 $0x0, v3  }
0xb4: {  	s10 =	sadd.s32 s2, s4;
	s2 =	sadd.s32 s11, s13;
	v2 =	vld [tilespmem:s14+$0x180];
	v4 =	vsub.s32 $0x0, v4;
	v5 =	vshll.u32 v5, $0x17;
	[tilespmem:s9+$0x180] =	vst v3;
	s9 =	sadd.s32 s11, s4  }
0xb5: {  	s6 =	sadd.s32 s6, s4;
	v3 =	vld [tilespmem:s2+$0x180];
	[tilespmem:s8+$0x180] =	vst v4;
	s8 =	sadd.s32 s5, s4;
	v5 =	vsub.s32 $0x0, v5  }
0xb6: {  	v4 =	vld [tilespmem:s15+$0x180];
	[tilespmem:s7+$0x180] =	vst v5;
	s7 =	smov.u32 s6  }
0xb7: {  	v5 =	vld [tilespmem:s12+$0x180];
	_ =	sdelay $0x1  }
0xb8: {  	v2 =	vshll.u32 v2, $0x17  }
0xb9: {  	v2 =	vsub.s32 $0x0, v2;
	v3 =	vshll.u32 v3, $0x17  }
0xba: {  	s1 =	simm.s32 $0x0;
	s0 =	simm.s32 $0x0;
	[tilespmem:s10+$0x180] =	vst v2;
	v2 =	vshll.u32 v4, $0x17;
	v3 =	vsub.s32 $0x0, v3  }
0xbb: {  	s0 =	sand.u32 $0x40, s0;
	s1 =	sand.u32 $0x3C00, s1;
	v2 =	vsub.s32 $0x0, v2;
	v4 =	vshll.u32 v5, $0x17;
	[tilespmem:s9+$0x180] =	vst v3  }
0xbc: {  	s2 =	sadd.s32 s1, s26;
	s30 =	sor.u32 $0x30, s0;
	[tilespmem:s8+$0x180] =	vst v2;
	v2 =	vsub.s32 $0x0, v4  }
0xbd: {  	s31 =	sor.u32 $0x10, s0;
	s13 =	sadd.s32 s30, s2;
	[tilespmem:s7+$0x180] =	vst v2  }
0xbe: {  	s29 =	sor.u32 $0x20, s0;
	s14 =	sadd.s32 s31, s2;
	v2 =	vld [tilespmem:s13+$0x200]  }
0xbf: {  	s15 =	sadd.s32 s29, s2;
	v3 =	vld [tilespmem:s14+$0x200]  }
0xc0: {  	s7 =	sadd.s32 s0, s2;
	v4 =	vld [tilespmem:s15+$0x200]  }
0xc1: {  	s10 =	simm.s32 $0x200;
	s9 =	simm.s32 $0x40;
	v5 =	vld [tilespmem:s7+$0x200]  }
0xc2: {  	s18 =	sand.u32 $0x3C00, s10;
	s8 =	sand.u32 $0x40, s9  }
0xc3: {  	s20 =	sadd.s32 s18, s26;
	s12 =	sor.u32 $0x30, s8  }
0xc4: {  	s4 =	sadd.s32 s1, s25;
	s16 =	sor.u32 $0x10, s8;
	s5 =	sadd.s32 s12, s20;
	v2 =	vshll.u32 v2, $0x17  }
0xc5: {  	s6 =	sadd.s32 s30, s4;
	s17 =	sor.u32 $0x20, s8;
	s11 =	sadd.s32 s16, s20;
	v3 =	vshll.u32 v3, $0x17;
	v6 =	vsub.s32 $0x0, v2;
	v2 =	vld [tilespmem:s5+$0x200]  }
0xc6: {  	s28 =	sadd.s32 s31, s4;
	s24 =	sadd.s32 s17, s20;
	v4 =	vshll.u32 v4, $0x17;
	v5 =	vshll.u32 v5, $0x17;
	v7 =	vsub.s32 $0x0, v3;
	v3 =	vld [tilespmem:s11+$0x200];
	[tilespmem:s6+$0x200] =	vst v6  }
0xc7: {  	s19 =	sadd.s32 s8, s20;
	s20 =	sadd.s32 s29, s4;
	v5 =	vsub.s32 $0x0, v5;
	s11 =	sadd.s32 s0, s4;
	v6 =	vsub.s32 $0x0, v4;
	v4 =	vld [tilespmem:s24+$0x200];
	[tilespmem:s28+$0x200] =	vst v7  }
.LBB2_12:
0xc8: {  	s9 =	sadd.s32 $0x40, s9;
	s10 =	sadd.s32 $0x200, s10;
	s2 =	smov.u32 s12  }
0xc9: {  	v7 =	vld [tilespmem:s19+$0x200];
	[tilespmem:s20+$0x200] =	vst v6;
	s4 =	smov.u32 s16;
	s5 =	smov.u32 s17;
	s18 =	sadd.s32 s18, s25  }
0xca: {  	s6 =	sand.u32 $0x40, s9;
	s24 =	sand.u32 $0x3C00, s10;
	p0 =	slt.u32 s9, $0x640;
	[tilespmem:s11+$0x200] =	vst v5  }
.Ltmp9:
0xcb: {  	s11 =	sadd.s32 s24, s26;
	s12 =	sor.u32 $0x30, s6;
	v2 =	vshll.u32 v2, $0x17;
	(pc) =	sbr.rel @p0 .LBB2_12-.Ltmp9, $4  }
0xcc: {  	s2 =	sadd.s32 s2, s18;
	s16 =	sor.u32 $0x10, s6;
	s20 =	sadd.s32 s12, s11;
	v3 =	vshll.u32 v3, $0x17;
	v5 =	vsub.s32 $0x0, v2  }
0xcd: {  	s17 =	sor.u32 $0x20, s6;
	s19 =	sadd.s32 s6, s11;
	s28 =	sadd.s32 s16, s11;
	v2 =	vld [tilespmem:s20+$0x200];
	v8 =	vsub.s32 $0x0, v3;
	v4 =	vshll.u32 v4, $0x17;
	[tilespmem:s2+$0x200] =	vst v5  }
0xce: {  	s4 =	sadd.s32 s4, s18;
	s2 =	sadd.s32 s17, s11;
	s20 =	sadd.s32 s5, s18;
	v3 =	vld [tilespmem:s28+$0x200];
	v5 =	vshll.u32 v7, $0x17;
	v6 =	vsub.s32 $0x0, v4  }
0xcf: {  	s11 =	sadd.s32 s8, s18;
	s8 =	smov.u32 s6;
	s18 =	smov.u32 s24;
	v4 =	vld [tilespmem:s2+$0x200];
	v5 =	vsub.s32 $0x0, v5;
	[tilespmem:s4+$0x200] =	vst v8  }
0xd0: {  	v7 =	vld [tilespmem:s19+$0x200];
	_ =	sdelay $0x1  }
0xd1: {  	[tilespmem:s20+$0x200] =	vst v6;
	s2 =	sadd.s32 s18, s25;
	v2 =	vshll.u32 v2, $0x17  }
0xd2: {  	[tilespmem:s11+$0x200] =	vst v5;
	s4 =	sadd.s32 s12, s2;
	v3 =	vshll.u32 v3, $0x17;
	v2 =	vsub.s32 $0x0, v2  }
0xd3: {  	s12 =	sadd.s32 s16, s2;
	v3 =	vsub.s32 $0x0, v3;
	v4 =	vshll.u32 v4, $0x17;
	[tilespmem:s4+$0x200] =	vst v2  }
0xd4: {  	s5 =	sadd.s32 s17, s2;
	v2 =	vshll.u32 v7, $0x17;
	v4 =	vsub.s32 $0x0, v4;
	[tilespmem:s12+$0x200] =	vst v3  }
0xd5: {  	s2 =	sadd.s32 s8, s2;
	v2 =	vsub.s32 $0x0, v2;
	[tilespmem:s5+$0x200] =	vst v4  }
0xd6: {  	[tilespmem:s2+$0x200] =	vst v2  }
0xd7: {  	v2 =	vld [tilespmem:s7+$0x280]  }
0xd8: {  	v3 =	vld [tilespmem:s13+$0x280]  }
0xd9: {  	v4 =	vld [tilespmem:s14+$0x280]  }
0xda: {  	s16 =	sadd.s32 s1, s25;
	v5 =	vld [tilespmem:s15+$0x280]  }
0xdb: {  	s1 =	simm.s32 $0x40;
	s17 =	sadd.s32 s0, s16;
	s0 =	simm.s32 $0x200  }
0xdc: {  	s18 =	sadd.s32 s30, s16;
	s20 =	sand.u32 $0x40, s1;
	s19 =	sand.u32 $0x3C00, s0;
	v2 =	vshll.u32 v2, $0x17  }
0xdd: {  	s6 =	sadd.s32 s31, s16;
	s28 =	sor.u32 $0x30, s20;
	s9 =	sadd.s32 s19, s26;
	v3 =	vshll.u32 v3, $0x17;
	v2 =	vsub.s32 $0x0, v2  }
0xde: {  	s24 =	sor.u32 $0x10, s20;
	s10 =	sadd.s32 s20, s9;
	s30 =	sadd.s32 s28, s9;
	v4 =	vshll.u32 v4, $0x17;
	v3 =	vsub.s32 $0x0, v3;
	[tilespmem:s17+$0x280] =	vst v2  }
0xdf: {  	s2 =	sadd.s32 s29, s16;
	s29 =	sor.u32 $0x20, s20;
	s7 =	sadd.s32 s19, s25;
	v5 =	vshll.u32 v5, $0x17;
	v4 =	vsub.s32 $0x0, v4;
	v2 =	vld [tilespmem:s10+$0x280];
	[tilespmem:s18+$0x280] =	vst v3  }
0xe0: {  	s31 =	sadd.s32 s24, s9;
	s12 =	sadd.s32 s29, s9;
	s9 =	sadd.s32 s28, s7;
	v5 =	vsub.s32 $0x0, v5;
	v3 =	vld [tilespmem:s30+$0x280];
	[tilespmem:s6+$0x280] =	vst v4  }
0xe1: {  	s8 =	sadd.s32 s24, s7;
	s10 =	sadd.s32 s20, s7;
	s7 =	sadd.s32 s29, s7;
	v4 =	vld [tilespmem:s31+$0x280];
	[tilespmem:s2+$0x280] =	vst v5  }
.LBB2_14:
0xe2: {  	s1 =	sadd.s32 $0x40, s1;
	v5 =	vld [tilespmem:s12+$0x280];
	s0 =	sadd.s32 $0x200, s0  }
0xe3: {  	s2 =	sand.u32 $0x40, s1;
	s4 =	sand.u32 $0x3C00, s0;
	p0 =	slt.u32 s1, $0x640  }
0xe4: {  	s5 =	sor.u32 $0x10, s2;
	s6 =	sor.u32 $0x20, s2;
	s11 =	sor.u32 $0x30, s2;
	v2 =	vshll.u32 v2, $0x17  }
.Ltmp10:
0xe5: {  	s13 =	sadd.s32 s4, s26;
	s4 =	sadd.s32 s4, s25;
	v2 =	vsub.s32 $0x0, v2;
	v3 =	vshll.u32 v3, $0x17;
	(pc) =	sbr.rel @p0 .LBB2_14-.Ltmp10, $4  }
0xe6: {  	s14 =	sadd.s32 s2, s13;
	s15 =	sadd.s32 s5, s13;
	s12 =	sadd.s32 s6, s13;
	[tilespmem:s10+$0x280] =	vst v2;
	v4 =	vshll.u32 v4, $0x17;
	v3 =	vsub.s32 $0x0, v3  }
0xe7: {  	s10 =	sadd.s32 s2, s4;
	s2 =	sadd.s32 s11, s13;
	v2 =	vld [tilespmem:s14+$0x280];
	v4 =	vsub.s32 $0x0, v4;
	v5 =	vshll.u32 v5, $0x17;
	[tilespmem:s9+$0x280] =	vst v3;
	s9 =	sadd.s32 s11, s4  }
0xe8: {  	s6 =	sadd.s32 s6, s4;
	v3 =	vld [tilespmem:s2+$0x280];
	[tilespmem:s8+$0x280] =	vst v4;
	s8 =	sadd.s32 s5, s4;
	v5 =	vsub.s32 $0x0, v5  }
0xe9: {  	v4 =	vld [tilespmem:s15+$0x280];
	[tilespmem:s7+$0x280] =	vst v5;
	s7 =	smov.u32 s6  }
0xea: {  	v5 =	vld [tilespmem:s12+$0x280];
	_ =	sdelay $0x1  }
0xeb: {  	v2 =	vshll.u32 v2, $0x17  }
0xec: {  	v2 =	vsub.s32 $0x0, v2;
	v3 =	vshll.u32 v3, $0x17  }
0xed: {  	s0 =	simm.s32 $0x0;
	s1 =	simm.s32 $0x0;
	[tilespmem:s10+$0x280] =	vst v2;
	v2 =	vshll.u32 v4, $0x17;
	v3 =	vsub.s32 $0x0, v3  }
0xee: {  	s29 =	sand.u32 $0x40, s1;
	s0 =	sand.u32 $0x3C00, s0;
	v2 =	vsub.s32 $0x0, v2;
	v4 =	vshll.u32 v5, $0x17;
	[tilespmem:s9+$0x280] =	vst v3  }
0xef: {  	s2 =	sadd.s32 s0, s26;
	s4 =	sor.u32 $0x30, s29;
	[tilespmem:s8+$0x280] =	vst v2;
	v2 =	vsub.s32 $0x0, v4  }
0xf0: {  	s5 =	sor.u32 $0x10, s29;
	s1 =	sadd.s32 s4, s2;
	[tilespmem:s7+$0x280] =	vst v2  }
0xf1: {  	s30 =	sor.u32 $0x20, s29;
	s13 =	sadd.s32 s5, s2;
	v2 =	vld [tilespmem:s1+$0x300]  }
0xf2: {  	s7 =	sadd.s32 s30, s2;
	v3 =	vld [tilespmem:s13+$0x300]  }
0xf3: {  	s31 =	sadd.s32 s29, s2;
	v4 =	vld [tilespmem:s7+$0x300]  }
0xf4: {  	s10 =	simm.s32 $0x200;
	s9 =	simm.s32 $0x40;
	v5 =	vld [tilespmem:s31+$0x300]  }
0xf5: {  	s18 =	sand.u32 $0x3C00, s10;
	s8 =	sand.u32 $0x40, s9  }
0xf6: {  	s20 =	sadd.s32 s18, s26;
	s12 =	sor.u32 $0x30, s8  }
0xf7: {  	s0 =	sadd.s32 s0, s25;
	s16 =	sor.u32 $0x10, s8;
	s6 =	sadd.s32 s12, s20;
	v2 =	vshll.u32 v2, $0x17  }
0xf8: {  	s14 =	sadd.s32 s4, s0;
	s17 =	sor.u32 $0x20, s8;
	s24 =	sadd.s32 s16, s20;
	v3 =	vshll.u32 v3, $0x17;
	v6 =	vsub.s32 $0x0, v2;
	v2 =	vld [tilespmem:s6+$0x300]  }
0xf9: {  	s15 =	sadd.s32 s5, s0;
	s28 =	sadd.s32 s17, s20;
	v4 =	vshll.u32 v4, $0x17;
	v5 =	vshll.u32 v5, $0x17;
	v7 =	vsub.s32 $0x0, v3;
	v3 =	vld [tilespmem:s24+$0x300];
	[tilespmem:s14+$0x300] =	vst v6  }
0xfa: {  	s11 =	sadd.s32 s29, s0;
	s19 =	sadd.s32 s8, s20;
	s20 =	sadd.s32 s30, s0;
	v5 =	vsub.s32 $0x0, v5;
	v6 =	vsub.s32 $0x0, v4;
	v4 =	vld [tilespmem:s28+$0x300];
	[tilespmem:s15+$0x300] =	vst v7  }
.LBB2_16:
0xfb: {  	s9 =	sadd.s32 $0x40, s9;
	s10 =	sadd.s32 $0x200, s10;
	s2 =	smov.u32 s12  }
0xfc: {  	v7 =	vld [tilespmem:s19+$0x300];
	[tilespmem:s20+$0x300] =	vst v6;
	s4 =	smov.u32 s16;
	s5 =	smov.u32 s17;
	s18 =	sadd.s32 s18, s25  }
0xfd: {  	s6 =	sand.u32 $0x40, s9;
	s24 =	sand.u32 $0x3C00, s10;
	p0 =	slt.u32 s9, $0x640;
	[tilespmem:s11+$0x300] =	vst v5  }
.Ltmp11:
0xfe: {  	s11 =	sadd.s32 s24, s26;
	s12 =	sor.u32 $0x30, s6;
	v2 =	vshll.u32 v2, $0x17;
	(pc) =	sbr.rel @p0 .LBB2_16-.Ltmp11, $4  }
0xff: {  	s2 =	sadd.s32 s2, s18;
	s16 =	sor.u32 $0x10, s6;
	s20 =	sadd.s32 s12, s11;
	v3 =	vshll.u32 v3, $0x17;
	v5 =	vsub.s32 $0x0, v2  }
0x100: {  	s17 =	sor.u32 $0x20, s6;
	s19 =	sadd.s32 s6, s11;
	s28 =	sadd.s32 s16, s11;
	v2 =	vld [tilespmem:s20+$0x300];
	v8 =	vsub.s32 $0x0, v3;
	v4 =	vshll.u32 v4, $0x17;
	[tilespmem:s2+$0x300] =	vst v5  }
0x101: {  	s4 =	sadd.s32 s4, s18;
	s2 =	sadd.s32 s17, s11;
	s20 =	sadd.s32 s5, s18;
	v3 =	vld [tilespmem:s28+$0x300];
	v5 =	vshll.u32 v7, $0x17;
	v6 =	vsub.s32 $0x0, v4  }
0x102: {  	s11 =	sadd.s32 s8, s18;
	s8 =	smov.u32 s6;
	s18 =	smov.u32 s24;
	v4 =	vld [tilespmem:s2+$0x300];
	v5 =	vsub.s32 $0x0, v5;
	[tilespmem:s4+$0x300] =	vst v8  }
0x103: {  	v7 =	vld [tilespmem:s19+$0x300];
	_ =	sdelay $0x1  }
0x104: {  	[tilespmem:s20+$0x300] =	vst v6;
	s2 =	sadd.s32 s18, s25;
	v2 =	vshll.u32 v2, $0x17  }
0x105: {  	[tilespmem:s11+$0x300] =	vst v5;
	s4 =	sadd.s32 s12, s2;
	v3 =	vshll.u32 v3, $0x17;
	v2 =	vsub.s32 $0x0, v2  }
0x106: {  	s19 =	sadd.s32 s16, s2;
	v3 =	vsub.s32 $0x0, v3;
	v4 =	vshll.u32 v4, $0x17;
	[tilespmem:s4+$0x300] =	vst v2  }
0x107: {  	s5 =	sadd.s32 s17, s2;
	v2 =	vshll.u32 v7, $0x17;
	v4 =	vsub.s32 $0x0, v4;
	[tilespmem:s19+$0x300] =	vst v3  }
0x108: {  	s2 =	sadd.s32 s8, s2;
	v2 =	vsub.s32 $0x0, v2;
	[tilespmem:s5+$0x300] =	vst v4  }
0x109: {  	[tilespmem:s2+$0x300] =	vst v2  }
0x10a: {  	v2 =	vld [tilespmem:s1+$0x380]  }
0x10b: {  	v3 =	vld [tilespmem:s13+$0x380]  }
0x10c: {  	v4 =	vld [tilespmem:s7+$0x380]  }
0x10d: {  	s8 =	simm.s32 $0x200;
	s7 =	simm.s32 $0x40;
	v5 =	vld [tilespmem:s31+$0x380]  }
0x10e: {  	s13 =	sand.u32 $0x3C00, s8;
	s1 =	sand.u32 $0x40, s7  }
0x10f: {  	s20 =	sadd.s32 s13, s26;
	s9 =	sor.u32 $0x30, s1  }
0x110: {  	s10 =	sor.u32 $0x10, s1;
	s24 =	sadd.s32 s9, s20;
	v2 =	vshll.u32 v2, $0x17  }
0x111: {  	s12 =	sor.u32 $0x20, s1;
	s28 =	sadd.s32 s10, s20;
	v3 =	vshll.u32 v3, $0x17;
	v6 =	vsub.s32 $0x0, v2;
	v2 =	vld [tilespmem:s24+$0x380]  }
0x112: {  	s31 =	sadd.s32 s12, s20;
	v4 =	vshll.u32 v4, $0x17;
	v5 =	vshll.u32 v5, $0x17;
	v7 =	vsub.s32 $0x0, v3;
	v3 =	vld [tilespmem:s28+$0x380];
	[tilespmem:s14+$0x380] =	vst v6  }
0x113: {  	s11 =	sadd.s32 s30, s0;
	s0 =	sadd.s32 s29, s0;
	v5 =	vsub.s32 $0x0, v5;
	s14 =	sadd.s32 s1, s20;
	v6 =	vsub.s32 $0x0, v4;
	v4 =	vld [tilespmem:s31+$0x380];
	[tilespmem:s15+$0x380] =	vst v7  }
.LBB2_18:
0x114: {  	s7 =	sadd.s32 $0x40, s7;
	s8 =	sadd.s32 $0x200, s8;
	s2 =	smov.u32 s9  }
0x115: {  	v7 =	vld [tilespmem:s14+$0x380];
	[tilespmem:s11+$0x380] =	vst v6;
	s4 =	smov.u32 s10;
	s5 =	smov.u32 s12;
	s13 =	sadd.s32 s13, s25  }
0x116: {  	s6 =	sand.u32 $0x40, s7;
	s15 =	sand.u32 $0x3C00, s8;
	p0 =	slt.u32 s7, $0x640;
	[tilespmem:s0+$0x380] =	vst v5  }
.Ltmp12:
0x117: {  	s0 =	sadd.s32 s15, s26;
	s9 =	sor.u32 $0x30, s6;
	v2 =	vshll.u32 v2, $0x17;
	(pc) =	sbr.rel @p0 .LBB2_18-.Ltmp12, $4  }
0x118: {  	s2 =	sadd.s32 s2, s13;
	s10 =	sor.u32 $0x10, s6;
	s11 =	sadd.s32 s9, s0;
	v3 =	vshll.u32 v3, $0x17;
	v5 =	vsub.s32 $0x0, v2  }
0x119: {  	s12 =	sor.u32 $0x20, s6;
	s14 =	sadd.s32 s6, s0;
	s16 =	sadd.s32 s10, s0;
	v2 =	vld [tilespmem:s11+$0x380];
	v8 =	vsub.s32 $0x0, v3;
	v4 =	vshll.u32 v4, $0x17;
	[tilespmem:s2+$0x380] =	vst v5  }
0x11a: {  	s0 =	sadd.s32 s12, s0;
	s2 =	sadd.s32 s4, s13;
	s11 =	sadd.s32 s5, s13;
	v3 =	vld [tilespmem:s16+$0x380];
	v5 =	vshll.u32 v7, $0x17;
	v6 =	vsub.s32 $0x0, v4  }
0x11b: {  	v4 =	vld [tilespmem:s0+$0x380];
	v5 =	vsub.s32 $0x0, v5;
	s0 =	sadd.s32 s1, s13;
	[tilespmem:s2+$0x380] =	vst v8;
	s1 =	smov.u32 s6;
	s13 =	smov.u32 s15  }
0x11c: {  	v7 =	vld [tilespmem:s14+$0x380];
	_ =	sdelay $0x1  }
0x11d: {  	[tilespmem:s11+$0x380] =	vst v6;
	s2 =	sadd.s32 s13, s25;
	v2 =	vshll.u32 v2, $0x17  }
0x11e: {  	[tilespmem:s0+$0x380] =	vst v5;
	s9 =	sadd.s32 s9, s2;
	v3 =	vshll.u32 v3, $0x17;
	v2 =	vsub.s32 $0x0, v2  }
0x11f: {  	s11 =	sadd.s32 s10, s2;
	v3 =	vsub.s32 $0x0, v3;
	v4 =	vshll.u32 v4, $0x17;
	[tilespmem:s9+$0x380] =	vst v2  }
0x120: {  	s4 =	sadd.s32 s12, s2;
	v2 =	vshll.u32 v7, $0x17;
	v4 =	vsub.s32 $0x0, v4;
	[tilespmem:s11+$0x380] =	vst v3  }
0x121: {  	s14 =	sshll.u32 s22, $0x3;
	s13 =	sadd.s32 s1, s2;
	v2 =	vsub.s32 $0x0, v2;
	[tilespmem:s4+$0x380] =	vst v4  }
0x122: {  	s15 =	sand.u32 $0x78, s14;
	[tilespmem:s13+$0x380] =	vst v2  }
0x123: {  	v2 =	vld.msk [tilespmem:s15+$0x0], $0xff;
	_ =	sdelay $0x4  }
0x124: {  	v3 =	vshrl.u32 v2, $0x3  }
0x125: {  	v3 =	vmul.u32 $0x278, v3  }
0x126: {  	v2 =	vand.u32 $0x7, v2  }
0x127: {  	v2 =	vor.u32 v2, v3  }
0x128: {  	v2 =	vperm.xlane v2, v0;
	_ =	sdelay $0x1  }
0x129: {  	v2 =	vadd.s32 v1, v2  }
0x12a: {  	s16 =	rddreg [dreg:$0xe]  }
0x12b: {  	s18 =	rddreg [dreg:$0x2];
	s0 =	smul.u32 $0x680, s16  }
0x12c: {  	s17 =	rddreg [dreg:$0xd]  }
0x12d: {  	s5 =	simm.s32 $0x0;
	s1 =	sadd.s32 $0x6, s17;
	s0 =	sadd.s32 s18, s0  }
0x12e: {  	[tilespmem:s25], [sflag:s1] =	stream.indirect_vreg.gather [hbm4b:s0+s5], $0x80, v2, vm1, $0xb8;
	[tilespmem:$0x1D480] =	vst v63  }
0x12f: {  	s19 =	sadd.s32 $0x10C80, s23;
	s2 =	sadd.s32 $0x100, s0  }
0x130: {  	[tilespmem:s19], [sflag:s1] =	stream.indirect_vreg.gather [hbm4b:s2+s5], $0x80, v2, vm1, $0xb8;
	[tilespmem:$0x1D480] =	vst v63  }
0x131: {  	s22 =	sadd.s32 $0x11480, s23;
	s20 =	sadd.s32 $0x200, s0  }
0x132: {  	[tilespmem:s22], [sflag:s1] =	stream.indirect_vreg.gather [hbm4b:s20+s5], $0x80, v2, vm1, $0xb8;
	[tilespmem:$0x1D480] =	vst v63  }
0x133: {  	s24 =	sadd.s32 $0x300, s0;
	s25 =	sadd.s32 $0x11C80, s23  }
0x134: {  	[tilespmem:s25], [sflag:s1] =	stream.indirect_vreg.gather [hbm4b:s24+s5], $0x80, v2, vm1, $0xb8;
	[tilespmem:$0x1D480] =	vst v63  }
0x135: {  	s28 =	sadd.s32 $0x12480, s23;
	s26 =	sadd.s32 $0x400, s0  }
0x136: {  	[tilespmem:s28], [sflag:s1] =	stream.indirect_vreg.gather [hbm4b:s26+s5], $0x80, v2, vm1, $0xb8;
	[tilespmem:$0x1D480] =	vst v63  }
.Ltmp13:
0x137: {  	s30 =	sadd.s32 $0x12C80, s23;
	(pc) =	sbr.rel .LBB2_20-.Ltmp13, $4  }
0x138: {  	s31 =	sadd.s32 $0x13480, s23;
	s12 =	rddreg [dreg:$0x5];
	s29 =	sadd.s32 $0x500, s0  }
0x139: {  	[tilespmem:s30], [sflag:s1] =	stream.indirect_vreg.gather [hbm4b:s29+s5], $0x80, v2, vm1, $0xb8;
	[tilespmem:$0x1D480] =	vst v63  }
0x13a: {  	s11 =	simm.s32 $0x0;
	s6 =	rddreg [dreg:$0x6];
	s0 =	sadd.s32 $0x600, s0  }
0x13b: {  	[tilespmem:s31], [sflag:s1] =	stream.indirect_vreg.gather [hbm4b:s0+s5], $0x80, v2, vm0, $0xb8;
	[tilespmem:$0x1D480] =	vst v63  }
.LBB2_22:
0x13c: {  	_ =	sfence.sel $0x180000  }
0x13d: {  	[bflag:$0x0] =	sbarrier.arrive $0xFFFF  }
0x13e: {  	_ =	strace $0x9000004A  }
0x13f: {  	s0 =	stileid.u32;
	[bflag:$0x2] =	sbarrier.arrive $0xFFFF  }
0x140: {  	p0 =	sne.s32 s0, $0x0;
	s0 =	rddreg [dreg:$0x4]  }
0x141: {  	s0 =	sadd.s32 @!p0 $0x100000, s0  }
0x142: {  	[sflag:s0] =	ssyncadd.tile.s32 @!p0 $0x1;
	_ =	shalt  }
.Lfunc_end2:
_tile_overlayer_lowered:
.L_overlay_start_2:
0x143: {  	(tag) =	ssettag $0x2  }
0x144: {  	s0 =	rddreg [dreg:$0x0];
	s2 =	stileid.u32  }
0x145: {  	s1 =	rddreg [dreg:$0x1];
	p0 =	sne.s32 s2, $0x0  }
0x146: {  	s3 =	rddreg [dreg:$0x2];
	[bflag:$0x3] =	sbarrier.arrive $0xFFFF;
	s2 =	simm.s32 @!p0 $0x1C0E  }
0x147: {  	[timem:s3], [sflag:s2] =	dma.local @!p0 [hbm:s0], s1  }
0x148: {  	s0 =	simm.s32 @!p0 $0xE  }
0x149: {  	_ =	swait.ge @!p0 [sflag:s0], s1  }
0x14a: {  	s1 =	ssub.s32 @!p0 $0x0, s1;
	[sflag:s0] =	ssyncset.done @!p0 $0x0  }
0x14b: {  	[sflag:s0] =	ssyncadd.s32 @!p0 s1  }
0x14c: {  	[bflag:$0x3] =	sbarrier.arrive $0xFFFF  }
0x14d: {  	_ =	shalt  }

</sc_bundles>
